<compile_context>
chip_gen: v7x
topology: tpu7x:2x2x1
jax: 0.10.2.dev20260603
libtpu: 0.0.44.dev20260713+nightly
codegen_flags: <defaults>
</compile_context>

<pallas_src>
import functools

import jax
import jax.numpy as jnp
from jax import lax
from jax.experimental import pallas as pl
from jax.experimental.pallas import tpu as pltpu
from jax.experimental.pallas import tpu_sc as plsc

B = 4096
L = 200
E = 64
O = 64

NC = 2
NS = 16
NW = NC * NS
RPW = B // NW
C0 = 128
C1 = L - C0
LP = 256


def _make_pool():
    mesh = plsc.VectorSubcoreMesh(core_axis_name="c", subcore_axis_name="s")

    @functools.partial(
        pl.kernel,
        mesh=mesh,
        compiler_params=pltpu.CompilerParams(use_tc_tiling_on_sc=False),
        out_type=jax.ShapeDtypeStruct((B, E), jnp.float32),
        scratch_types=[
            pltpu.VMEM((RPW, LP), jnp.int32),
            pltpu.VMEM((L, E), jnp.float32),
            pltpu.VMEM((L, E), jnp.float32),
            pltpu.VMEM((RPW, E), jnp.float32),
            pltpu.SemaphoreType.DMA,
            pltpu.SemaphoreType.DMA,
        ],
    )
    def pool(x_hbm, table_hbm, sum_hbm, idx_v, rows0_v, rows1_v, acc_v,
             sem0, sem1):
        wid = lax.axis_index("s") * NC + lax.axis_index("c")
        base = wid * RPW
        pltpu.sync_copy(x_hbm.at[pl.ds(base, RPW)], idx_v)

        def start(r, rows_v, sem):
            pltpu.async_copy(
                table_hbm.at[idx_v.at[r, pl.ds(0, C0)]],
                rows_v.at[pl.ds(0, C0)], sem)
            pltpu.async_copy(
                table_hbm.at[idx_v.at[r, pl.ds(C0, C1)]],
                rows_v.at[pl.ds(C0, C1)], sem)

        def wait(rows_v, sem):
            pltpu.make_async_copy(
                table_hbm.at[pl.ds(0, L)], rows_v, sem).wait()

        def reduce_into(rows_v, r):
            def red_body(j, s):
                for q in range(8):
                    jj = j * 8 + q
                    s = (s[0] + rows_v[jj, pl.ds(0, 16)],
                         s[1] + rows_v[jj, pl.ds(16, 16)],
                         s[2] + rows_v[jj, pl.ds(32, 16)],
                         s[3] + rows_v[jj, pl.ds(48, 16)])
                return s

            z = jnp.zeros((16,), jnp.float32)
            s0, s1, s2, s3 = lax.fori_loop(0, L // 8, red_body, (z, z, z, z))
            acc_v[r, pl.ds(0, 16)] = s0
            acc_v[r, pl.ds(16, 16)] = s1
            acc_v[r, pl.ds(32, 16)] = s2
            acc_v[r, pl.ds(48, 16)] = s3

        start(0, rows0_v, sem0)

        def pair_body(g, carry):
            start(2 * g + 1, rows1_v, sem1)
            wait(rows0_v, sem0)
            reduce_into(rows0_v, 2 * g)

            @pl.when(g < RPW // 2 - 1)
            def _():
                start(2 * g + 2, rows0_v, sem0)

            wait(rows1_v, sem1)
            reduce_into(rows1_v, 2 * g + 1)
            return carry

        lax.fori_loop(0, RPW // 2, pair_body, 0)
        pltpu.sync_copy(acc_v, sum_hbm.at[pl.ds(base, RPW)])

    return pool


_pool = _make_pool()

_BM = 512


def _dense_body(s_ref, w_ref, b_ref, o_ref):
    h = jnp.dot(s_ref[...], w_ref[...], preferred_element_type=jnp.float32)
    o_ref[...] = jnp.maximum(h * (1.0 / L) + b_ref[...], 0.0)


def _dense(sums, w, b2):
    return pl.pallas_call(
        _dense_body,
        grid=(B // _BM,),
        in_specs=[
            pl.BlockSpec((_BM, E), lambda i: (i, 0)),
            pl.BlockSpec((E, O), lambda i: (0, 0)),
            pl.BlockSpec((1, O), lambda i: (0, 0)),
        ],
        out_specs=pl.BlockSpec((_BM, O), lambda i: (i, 0)),
        out_shape=jax.ShapeDtypeStruct((B, O), jnp.float32),
    )(sums, w, b2)


def kernel(x, table, W, b):
    xp = jnp.pad(x.astype(jnp.int32), ((0, 0), (0, LP - L)))
    sums = _pool(xp, table)
    return _dense(sums, W, b.reshape(1, O))

# --- scband reference (transcript-rebuilt; emitter-appended) ---
"""Pipeline reference for scband-job-model-26328149525216 (READ-ONLY COPY).

The authoritative reference and input builder live on the scoring server;
editing this copy changes nothing except your own understanding.
"""

import jax, jax.numpy as jnp
import numpy as np

VOCAB = 1000000
EMBED = 64
OUT = 64
B = 4096
L = 200

def setup_inputs(seed: int = 0) -> dict:
    key = jax.random.key(seed)
    k1, k2, k3, k4 = jax.random.split(key, 4)
    x = jax.random.randint(k1, (B, L), 0, VOCAB, dtype=jnp.int64 if jax.config.jax_enable_x64 else jnp.int32)
    table = jax.random.normal(k2, (VOCAB, EMBED), dtype=jnp.float32)
    W = jax.random.normal(k3, (EMBED, OUT), dtype=jnp.float32) * (1.0 / np.sqrt(EMBED))
    b = jax.random.normal(k4, (OUT,), dtype=jnp.float32) * 0.01
    return {"x": x, "table": table, "W": W, "b": b}

def reference(x, table, W, b):
    # embedding lookup (gather)
    emb = jnp.take(table, x, axis=0)          # [B, L, EMBED]
    pooled = jnp.mean(emb, axis=1)            # [B, EMBED]
    h = pooled @ W + b                        # [B, OUT]
    return jax.nn.relu(h)

if __name__ == "__main__":
    import jax
    _d = setup_inputs()
    print(jax.jit(kernel)(*tuple(_d.values())))

</pallas_src>

<mosaic_0001>
#map = affine_map<(d0, d1) -> (0, 0)>
module attributes {stable_mosaic.version = 14 : i64} {
  func.func @pool(%arg0: i32, %arg1: i32, %arg2: memref<4096x256xi32, #tpu.memory_space<hbm>>, %arg3: memref<1000000x64xf32, #tpu.memory_space<hbm>>, %arg4: memref<4096x64xf32, #tpu.memory_space<hbm>>, %arg5: memref<128x256xi32, #tpu.memory_space<vmem>>, %arg6: memref<200x64xf32, #tpu.memory_space<vmem>>, %arg7: memref<200x64xf32, #tpu.memory_space<vmem>>, %arg8: memref<128x64xf32, #tpu.memory_space<vmem>>, %arg9: memref<!tpu.dma_semaphore, #tpu.memory_space<semaphore_mem>>, %arg10: memref<!tpu.dma_semaphore, #tpu.memory_space<semaphore_mem>>) attributes {dimension_semantics = [#tpu.dimension_semantics<core_parallel>, #tpu.dimension_semantics<subcore_parallel>], iteration_bounds = array<i64: 2, 16>, scalar_prefetch = 0 : i64, scratch_operands = 6 : i64, tpu.core_type = #tpu.core_type<sc_vector_subcore>, window_params = [{transform_indices = #map}, {transform_indices = #map}, {transform_indices = #map}]} {
    %mul3A = arith.constant 2 : i32
    %mul3A_0 = arith.muli %arg1, %mul3A : i32
    %add3A = arith.addi %mul3A_0, %arg0 : i32
    %mul3A_1 = arith.constant 128 : i32
    %mul3A_2 = arith.muli %add3A, %mul3A_1 : i32
    "tpu.region"() ({
      %run_scoped3A = tpu.sem_alloc : memref<!tpu.dma_semaphore, #tpu.memory_space<semaphore_mem>>
      %dma_start3A_27 = arith.constant 0 : i32
      %dma_start3A_28 = tpu.memref_slice %arg2[%mul3A_2, %dma_start3A_27] : memref<4096x256xi32, #tpu.memory_space<hbm>> -> memref<128x256xi32, #tpu.memory_space<hbm>>
      %dma_start3A_29 = arith.constant 0 : i32
      %dma_start3A_30 = tpu.memref_slice %arg2[%mul3A_2, %dma_start3A_29] : memref<4096x256xi32, #tpu.memory_space<hbm>> -> memref<128x256xi32, #tpu.memory_space<hbm>>
      tpu.enqueue_dma source(%dma_start3A_30 : memref<128x256xi32, #tpu.memory_space<hbm>>) target(%arg5 : memref<128x256xi32, #tpu.memory_space<vmem>>) target_semaphore(%run_scoped3A : memref<!tpu.dma_semaphore, #tpu.memory_space<semaphore_mem>>)
      %dma_wait3A = arith.constant 0 : i32
      %dma_wait3A_31 = tpu.memref_slice %arg2[%mul3A_2, %dma_wait3A] : memref<4096x256xi32, #tpu.memory_space<hbm>> -> memref<128x256xi32, #tpu.memory_space<hbm>>
      %dma_wait3A_32 = arith.constant 0 : i32
      %dma_wait3A_33 = tpu.memref_slice %arg2[%mul3A_2, %dma_wait3A_32] : memref<4096x256xi32, #tpu.memory_space<hbm>> -> memref<128x256xi32, #tpu.memory_space<hbm>>
      tpu.wait_dma2 semaphore(%run_scoped3A : memref<!tpu.dma_semaphore, #tpu.memory_space<semaphore_mem>>) src(%dma_wait3A_33 : memref<128x256xi32, #tpu.memory_space<hbm>>) dst(%arg5 : memref<128x256xi32, #tpu.memory_space<vmem>>)
      tpu.yield
    }) : () -> ()
    %dma_start3A = arith.constant 0 : i32
    %dma_start3A_3 = arith.constant 0 : i32
    %dma_start3A_4 = arith.constant 0 : i32
    %dma_start3A_5 = tpu.memref_slice %arg6[%dma_start3A_3, %dma_start3A_4] : memref<200x64xf32, #tpu.memory_space<vmem>> -> memref<128x64xf32, #tpu.memory_space<vmem>>
    %dma_start3A_6 = arith.constant 0 : i32
    %dma_start3A_7 = tpu.memref_slice %arg5[%dma_start3A, %dma_start3A_6] : memref<128x256xi32, #tpu.memory_space<vmem>> -> memref<1x128xi32, #tpu.memory_space<vmem>>
    %dma_start3A_8 = tpu.memref_squeeze %dma_start3A_7 : memref<1x128xi32, #tpu.memory_space<vmem>> -> memref<128xi32, #tpu.memory_space<vmem>>
    %dma_start3A_9 = arith.constant 0 : i32
    %dma_start3A_10 = arith.constant 0 : i32
    %dma_start3A_11 = tpu.memref_slice %arg3[%dma_start3A_9, %dma_start3A_10] : memref<1000000x64xf32, #tpu.memory_space<hbm>> -> memref<1000000x64xf32, #tpu.memory_space<hbm>>
    tpu.enqueue_indirect_dma source(%dma_start3A_11 : memref<1000000x64xf32, #tpu.memory_space<hbm>>) target(%dma_start3A_5 : memref<128x64xf32, #tpu.memory_space<vmem>>) offsets(%dma_start3A_8 : memref<128xi32, #tpu.memory_space<vmem>>) semaphore(%arg9 : memref<!tpu.dma_semaphore, #tpu.memory_space<semaphore_mem>>)
    %dma_start3A_12 = arith.constant 0 : i32
    %dma_start3A_13 = arith.constant 128 : i32
    %dma_start3A_14 = arith.constant 0 : i32
    %dma_start3A_15 = tpu.memref_slice %arg6[%dma_start3A_13, %dma_start3A_14] : memref<200x64xf32, #tpu.memory_space<vmem>> -> memref<72x64xf32, #tpu.memory_space<vmem>>
    %dma_start3A_16 = arith.constant 128 : i32
    %dma_start3A_17 = tpu.memref_slice %arg5[%dma_start3A_12, %dma_start3A_16] : memref<128x256xi32, #tpu.memory_space<vmem>> -> memref<1x72xi32, #tpu.memory_space<vmem>>
    %dma_start3A_18 = tpu.memref_squeeze %dma_start3A_17 : memref<1x72xi32, #tpu.memory_space<vmem>> -> memref<72xi32, #tpu.memory_space<vmem>>
    %dma_start3A_19 = arith.constant 0 : i32
    %dma_start3A_20 = arith.constant 0 : i32
    %dma_start3A_21 = tpu.memref_slice %arg3[%dma_start3A_19, %dma_start3A_20] : memref<1000000x64xf32, #tpu.memory_space<hbm>> -> memref<1000000x64xf32, #tpu.memory_space<hbm>>
    tpu.enqueue_indirect_dma source(%dma_start3A_21 : memref<1000000x64xf32, #tpu.memory_space<hbm>>) target(%dma_start3A_15 : memref<72x64xf32, #tpu.memory_space<vmem>>) offsets(%dma_start3A_18 : memref<72xi32, #tpu.memory_space<vmem>>) semaphore(%arg9 : memref<!tpu.dma_semaphore, #tpu.memory_space<semaphore_mem>>)
    %scan3A = arith.constant 0 : i32
    %scan3A_22 = arith.constant 0 : i32
    %scan3A_23 = arith.constant 64 : i32
    %scan3A_24 = arith.addi %scan3A_22, %scan3A_23 : i32
    %scan3A_25 = arith.constant 1 : i32
    scf.for %scan3A_27 = %scan3A_22 to %scan3A_24 step %scan3A_25  : i32 {
      %mul3A_28 = arith.constant 2 : i32
      %mul3A_29 = arith.muli %mul3A_28, %scan3A_27 : i32
      %add3A_30 = arith.constant 1 : i32
      %add3A_31 = arith.addi %mul3A_29, %add3A_30 : i32
      %dma_start3A_32 = arith.constant 0 : i32
      %dma_start3A_33 = arith.constant 0 : i32
      %dma_start3A_34 = tpu.memref_slice %arg7[%dma_start3A_32, %dma_start3A_33] : memref<200x64xf32, #tpu.memory_space<vmem>> -> memref<128x64xf32, #tpu.memory_space<vmem>>
      %dma_start3A_35 = arith.constant 0 : i32
      %dma_start3A_36 = tpu.memref_slice %arg5[%add3A_31, %dma_start3A_35] : memref<128x256xi32, #tpu.memory_space<vmem>> -> memref<1x128xi32, #tpu.memory_space<vmem>>
      %dma_start3A_37 = tpu.memref_squeeze %dma_start3A_36 : memref<1x128xi32, #tpu.memory_space<vmem>> -> memref<128xi32, #tpu.memory_space<vmem>>
      %dma_start3A_38 = arith.constant 0 : i32
      %dma_start3A_39 = arith.constant 0 : i32
      %dma_start3A_40 = tpu.memref_slice %arg3[%dma_start3A_38, %dma_start3A_39] : memref<1000000x64xf32, #tpu.memory_space<hbm>> -> memref<1000000x64xf32, #tpu.memory_space<hbm>>
      tpu.enqueue_indirect_dma source(%dma_start3A_40 : memref<1000000x64xf32, #tpu.memory_space<hbm>>) target(%dma_start3A_34 : memref<128x64xf32, #tpu.memory_space<vmem>>) offsets(%dma_start3A_37 : memref<128xi32, #tpu.memory_space<vmem>>) semaphore(%arg10 : memref<!tpu.dma_semaphore, #tpu.memory_space<semaphore_mem>>)
      %dma_start3A_41 = arith.constant 128 : i32
      %dma_start3A_42 = arith.constant 0 : i32
      %dma_start3A_43 = tpu.memref_slice %arg7[%dma_start3A_41, %dma_start3A_42] : memref<200x64xf32, #tpu.memory_space<vmem>> -> memref<72x64xf32, #tpu.memory_space<vmem>>
      %dma_start3A_44 = arith.constant 128 : i32
      %dma_start3A_45 = tpu.memref_slice %arg5[%add3A_31, %dma_start3A_44] : memref<128x256xi32, #tpu.memory_space<vmem>> -> memref<1x72xi32, #tpu.memory_space<vmem>>
      %dma_start3A_46 = tpu.memref_squeeze %dma_start3A_45 : memref<1x72xi32, #tpu.memory_space<vmem>> -> memref<72xi32, #tpu.memory_space<vmem>>
      %dma_start3A_47 = arith.constant 0 : i32
      %dma_start3A_48 = arith.constant 0 : i32
      %dma_start3A_49 = tpu.memref_slice %arg3[%dma_start3A_47, %dma_start3A_48] : memref<1000000x64xf32, #tpu.memory_space<hbm>> -> memref<1000000x64xf32, #tpu.memory_space<hbm>>
      tpu.enqueue_indirect_dma source(%dma_start3A_49 : memref<1000000x64xf32, #tpu.memory_space<hbm>>) target(%dma_start3A_43 : memref<72x64xf32, #tpu.memory_space<vmem>>) offsets(%dma_start3A_46 : memref<72xi32, #tpu.memory_space<vmem>>) semaphore(%arg10 : memref<!tpu.dma_semaphore, #tpu.memory_space<semaphore_mem>>)
      %dma_wait3A = arith.constant 0 : i32
      %dma_wait3A_50 = arith.constant 0 : i32
      %dma_wait3A_51 = tpu.memref_slice %arg3[%dma_wait3A, %dma_wait3A_50] : memref<1000000x64xf32, #tpu.memory_space<hbm>> -> memref<200x64xf32, #tpu.memory_space<hbm>>
      %dma_wait3A_52 = arith.constant 0 : i32
      %dma_wait3A_53 = arith.constant 0 : i32
      %dma_wait3A_54 = tpu.memref_slice %arg3[%dma_wait3A_52, %dma_wait3A_53] : memref<1000000x64xf32, #tpu.memory_space<hbm>> -> memref<200x64xf32, #tpu.memory_space<hbm>>
      tpu.wait_dma2 semaphore(%arg9 : memref<!tpu.dma_semaphore, #tpu.memory_space<semaphore_mem>>) src(%dma_wait3A_54 : memref<200x64xf32, #tpu.memory_space<hbm>>) dst(%arg6 : memref<200x64xf32, #tpu.memory_space<vmem>>)
      %mul3A_55 = arith.constant 2 : i32
      %mul3A_56 = arith.muli %mul3A_55, %scan3A_27 : i32
      %broadcast_in_dim3A = arith.constant 0.000000e+00 : f32
      %broadcast_in_dim3A_57 = vector.broadcast %broadcast_in_dim3A : f32 to vector<16xf32>
      %scan3A_58 = arith.constant 0 : i32
      %scan3A_59 = arith.constant 25 : i32
      %scan3A_60 = arith.addi %scan3A_58, %scan3A_59 : i32
      %scan3A_61 = arith.constant 1 : i32
      %scan3A_62:4 = scf.for %scan3A_123 = %scan3A_58 to %scan3A_60 step %scan3A_61 iter_args(%scan3A_124 = %broadcast_in_dim3A_57, %scan3A_125 = %broadcast_in_dim3A_57, %scan3A_126 = %broadcast_in_dim3A_57, %scan3A_127 = %broadcast_in_dim3A_57) -> (vector<16xf32>, vector<16xf32>, vector<16xf32>, vector<16xf32>)  : i32 {
        %mul3A_128 = arith.constant 8 : i32
        %mul3A_129 = arith.muli %scan3A_123, %mul3A_128 : i32
        %add3A_130 = arith.constant 0 : i32
        %add3A_131 = arith.addi %mul3A_129, %add3A_130 : i32
        %get3A = arith.index_cast %add3A_131 : i32 to index
        %get3A_132 = arith.constant 0 : index
        %get3A_133 = tpu.vector_load %arg6[%get3A, %get3A_132] {strides = array<i32>} : memref<200x64xf32, #tpu.memory_space<vmem>>, vector<1x16xf32>,
        %get3A_134 = vector.shape_cast %get3A_133 : vector<1x16xf32> to vector<16xf32>
        %add3A_135 = arith.addf %scan3A_124, %get3A_134 : vector<16xf32>
        %get3A_136 = arith.index_cast %add3A_131 : i32 to index
        %get3A_137 = arith.constant 16 : index
        %get3A_138 = tpu.vector_load %arg6[%get3A_136, %get3A_137] {strides = array<i32>} : memref<200x64xf32, #tpu.memory_space<vmem>>, vector<1x16xf32>,
        %get3A_139 = vector.shape_cast %get3A_138 : vector<1x16xf32> to vector<16xf32>
        %add3A_140 = arith.addf %scan3A_125, %get3A_139 : vector<16xf32>
        %get3A_141 = arith.index_cast %add3A_131 : i32 to index
        %get3A_142 = arith.constant 32 : index
        %get3A_143 = tpu.vector_load %arg6[%get3A_141, %get3A_142] {strides = array<i32>} : memref<200x64xf32, #tpu.memory_space<vmem>>, vector<1x16xf32>,
        %get3A_144 = vector.shape_cast %get3A_143 : vector<1x16xf32> to vector<16xf32>
        %add3A_145 = arith.addf %scan3A_126, %get3A_144 : vector<16xf32>
        %get3A_146 = arith.index_cast %add3A_131 : i32 to index
        %get3A_147 = arith.constant 48 : index
        %get3A_148 = tpu.vector_load %arg6[%get3A_146, %get3A_147] {strides = array<i32>} : memref<200x64xf32, #tpu.memory_space<vmem>>, vector<1x16xf32>,
        %get3A_149 = vector.shape_cast %get3A_148 : vector<1x16xf32> to vector<16xf32>
        %add3A_150 = arith.addf %scan3A_127, %get3A_149 : vector<16xf32>
        %mul3A_151 = arith.constant 8 : i32
        %mul3A_152 = arith.muli %scan3A_123, %mul3A_151 : i32
        %add3A_153 = arith.constant 1 : i32
        %add3A_154 = arith.addi %mul3A_152, %add3A_153 : i32
        %get3A_155 = arith.index_cast %add3A_154 : i32 to index
        %get3A_156 = arith.constant 0 : index
        %get3A_157 = tpu.vector_load %arg6[%get3A_155, %get3A_156] {strides = array<i32>} : memref<200x64xf32, #tpu.memory_space<vmem>>, vector<1x16xf32>,
        %get3A_158 = vector.shape_cast %get3A_157 : vector<1x16xf32> to vector<16xf32>
        %add3A_159 = arith.addf %add3A_135, %get3A_158 : vector<16xf32>
        %get3A_160 = arith.index_cast %add3A_154 : i32 to index
        %get3A_161 = arith.constant 16 : index
        %get3A_162 = tpu.vector_load %arg6[%get3A_160, %get3A_161] {strides = array<i32>} : memref<200x64xf32, #tpu.memory_space<vmem>>, vector<1x16xf32>,
        %get3A_163 = vector.shape_cast %get3A_162 : vector<1x16xf32> to vector<16xf32>
        %add3A_164 = arith.addf %add3A_140, %get3A_163 : vector<16xf32>
        %get3A_165 = arith.index_cast %add3A_154 : i32 to index
        %get3A_166 = arith.constant 32 : index
        %get3A_167 = tpu.vector_load %arg6[%get3A_165, %get3A_166] {strides = array<i32>} : memref<200x64xf32, #tpu.memory_space<vmem>>, vector<1x16xf32>,
        %get3A_168 = vector.shape_cast %get3A_167 : vector<1x16xf32> to vector<16xf32>
        %add3A_169 = arith.addf %add3A_145, %get3A_168 : vector<16xf32>
        %get3A_170 = arith.index_cast %add3A_154 : i32 to index
        %get3A_171 = arith.constant 48 : index
        %get3A_172 = tpu.vector_load %arg6[%get3A_170, %get3A_171] {strides = array<i32>} : memref<200x64xf32, #tpu.memory_space<vmem>>, vector<1x16xf32>,
        %get3A_173 = vector.shape_cast %get3A_172 : vector<1x16xf32> to vector<16xf32>
        %add3A_174 = arith.addf %add3A_150, %get3A_173 : vector<16xf32>
        %mul3A_175 = arith.constant 8 : i32
        %mul3A_176 = arith.muli %scan3A_123, %mul3A_175 : i32
        %add3A_177 = arith.constant 2 : i32
        %add3A_178 = arith.addi %mul3A_176, %add3A_177 : i32
        %get3A_179 = arith.index_cast %add3A_178 : i32 to index
        %get3A_180 = arith.constant 0 : index
        %get3A_181 = tpu.vector_load %arg6[%get3A_179, %get3A_180] {strides = array<i32>} : memref<200x64xf32, #tpu.memory_space<vmem>>, vector<1x16xf32>,
        %get3A_182 = vector.shape_cast %get3A_181 : vector<1x16xf32> to vector<16xf32>
        %add3A_183 = arith.addf %add3A_159, %get3A_182 : vector<16xf32>
        %get3A_184 = arith.index_cast %add3A_178 : i32 to index
        %get3A_185 = arith.constant 16 : index
        %get3A_186 = tpu.vector_load %arg6[%get3A_184, %get3A_185] {strides = array<i32>} : memref<200x64xf32, #tpu.memory_space<vmem>>, vector<1x16xf32>,
        %get3A_187 = vector.shape_cast %get3A_186 : vector<1x16xf32> to vector<16xf32>
        %add3A_188 = arith.addf %add3A_164, %get3A_187 : vector<16xf32>
        %get3A_189 = arith.index_cast %add3A_178 : i32 to index
        %get3A_190 = arith.constant 32 : index
        %get3A_191 = tpu.vector_load %arg6[%get3A_189, %get3A_190] {strides = array<i32>} : memref<200x64xf32, #tpu.memory_space<vmem>>, vector<1x16xf32>,
        %get3A_192 = vector.shape_cast %get3A_191 : vector<1x16xf32> to vector<16xf32>
        %add3A_193 = arith.addf %add3A_169, %get3A_192 : vector<16xf32>
        %get3A_194 = arith.index_cast %add3A_178 : i32 to index
        %get3A_195 = arith.constant 48 : index
        %get3A_196 = tpu.vector_load %arg6[%get3A_194, %get3A_195] {strides = array<i32>} : memref<200x64xf32, #tpu.memory_space<vmem>>, vector<1x16xf32>,
        %get3A_197 = vector.shape_cast %get3A_196 : vector<1x16xf32> to vector<16xf32>
        %add3A_198 = arith.addf %add3A_174, %get3A_197 : vector<16xf32>
        %mul3A_199 = arith.constant 8 : i32
        %mul3A_200 = arith.muli %scan3A_123, %mul3A_199 : i32
        %add3A_201 = arith.constant 3 : i32
        %add3A_202 = arith.addi %mul3A_200, %add3A_201 : i32
        %get3A_203 = arith.index_cast %add3A_202 : i32 to index
        %get3A_204 = arith.constant 0 : index
        %get3A_205 = tpu.vector_load %arg6[%get3A_203, %get3A_204] {strides = array<i32>} : memref<200x64xf32, #tpu.memory_space<vmem>>, vector<1x16xf32>,
        %get3A_206 = vector.shape_cast %get3A_205 : vector<1x16xf32> to vector<16xf32>
        %add3A_207 = arith.addf %add3A_183, %get3A_206 : vector<16xf32>
        %get3A_208 = arith.index_cast %add3A_202 : i32 to index
        %get3A_209 = arith.constant 16 : index
        %get3A_210 = tpu.vector_load %arg6[%get3A_208, %get3A_209] {strides = array<i32>} : memref<200x64xf32, #tpu.memory_space<vmem>>, vector<1x16xf32>,
        %get3A_211 = vector.shape_cast %get3A_210 : vector<1x16xf32> to vector<16xf32>
        %add3A_212 = arith.addf %add3A_188, %get3A_211 : vector<16xf32>
        %get3A_213 = arith.index_cast %add3A_202 : i32 to index
        %get3A_214 = arith.constant 32 : index
        %get3A_215 = tpu.vector_load %arg6[%get3A_213, %get3A_214] {strides = array<i32>} : memref<200x64xf32, #tpu.memory_space<vmem>>, vector<1x16xf32>,
        %get3A_216 = vector.shape_cast %get3A_215 : vector<1x16xf32> to vector<16xf32>
        %add3A_217 = arith.addf %add3A_193, %get3A_216 : vector<16xf32>
        %get3A_218 = arith.index_cast %add3A_202 : i32 to index
        %get3A_219 = arith.constant 48 : index
        %get3A_220 = tpu.vector_load %arg6[%get3A_218, %get3A_219] {strides = array<i32>} : memref<200x64xf32, #tpu.memory_space<vmem>>, vector<1x16xf32>,
        %get3A_221 = vector.shape_cast %get3A_220 : vector<1x16xf32> to vector<16xf32>
        %add3A_222 = arith.addf %add3A_198, %get3A_221 : vector<16xf32>
        %mul3A_223 = arith.constant 8 : i32
        %mul3A_224 = arith.muli %scan3A_123, %mul3A_223 : i32
        %add3A_225 = arith.constant 4 : i32
        %add3A_226 = arith.addi %mul3A_224, %add3A_225 : i32
        %get3A_227 = arith.index_cast %add3A_226 : i32 to index
        %get3A_228 = arith.constant 0 : index
        %get3A_229 = tpu.vector_load %arg6[%get3A_227, %get3A_228] {strides = array<i32>} : memref<200x64xf32, #tpu.memory_space<vmem>>, vector<1x16xf32>,
        %get3A_230 = vector.shape_cast %get3A_229 : vector<1x16xf32> to vector<16xf32>
        %add3A_231 = arith.addf %add3A_207, %get3A_230 : vector<16xf32>
        %get3A_232 = arith.index_cast %add3A_226 : i32 to index
        %get3A_233 = arith.constant 16 : index
        %get3A_234 = tpu.vector_load %arg6[%get3A_232, %get3A_233] {strides = array<i32>} : memref<200x64xf32, #tpu.memory_space<vmem>>, vector<1x16xf32>,
        %get3A_235 = vector.shape_cast %get3A_234 : vector<1x16xf32> to vector<16xf32>
        %add3A_236 = arith.addf %add3A_212, %get3A_235 : vector<16xf32>
        %get3A_237 = arith.index_cast %add3A_226 : i32 to index
        %get3A_238 = arith.constant 32 : index
        %get3A_239 = tpu.vector_load %arg6[%get3A_237, %get3A_238] {strides = array<i32>} : memref<200x64xf32, #tpu.memory_space<vmem>>, vector<1x16xf32>,
        %get3A_240 = vector.shape_cast %get3A_239 : vector<1x16xf32> to vector<16xf32>
        %add3A_241 = arith.addf %add3A_217, %get3A_240 : vector<16xf32>
        %get3A_242 = arith.index_cast %add3A_226 : i32 to index
        %get3A_243 = arith.constant 48 : index
        %get3A_244 = tpu.vector_load %arg6[%get3A_242, %get3A_243] {strides = array<i32>} : memref<200x64xf32, #tpu.memory_space<vmem>>, vector<1x16xf32>,
        %get3A_245 = vector.shape_cast %get3A_244 : vector<1x16xf32> to vector<16xf32>
        %add3A_246 = arith.addf %add3A_222, %get3A_245 : vector<16xf32>
        %mul3A_247 = arith.constant 8 : i32
        %mul3A_248 = arith.muli %scan3A_123, %mul3A_247 : i32
        %add3A_249 = arith.constant 5 : i32
        %add3A_250 = arith.addi %mul3A_248, %add3A_249 : i32
        %get3A_251 = arith.index_cast %add3A_250 : i32 to index
        %get3A_252 = arith.constant 0 : index
        %get3A_253 = tpu.vector_load %arg6[%get3A_251, %get3A_252] {strides = array<i32>} : memref<200x64xf32, #tpu.memory_space<vmem>>, vector<1x16xf32>,
        %get3A_254 = vector.shape_cast %get3A_253 : vector<1x16xf32> to vector<16xf32>
        %add3A_255 = arith.addf %add3A_231, %get3A_254 : vector<16xf32>
        %get3A_256 = arith.index_cast %add3A_250 : i32 to index
        %get3A_257 = arith.constant 16 : index
        %get3A_258 = tpu.vector_load %arg6[%get3A_256, %get3A_257] {strides = array<i32>} : memref<200x64xf32, #tpu.memory_space<vmem>>, vector<1x16xf32>,
        %get3A_259 = vector.shape_cast %get3A_258 : vector<1x16xf32> to vector<16xf32>
        %add3A_260 = arith.addf %add3A_236, %get3A_259 : vector<16xf32>
        %get3A_261 = arith.index_cast %add3A_250 : i32 to index
        %get3A_262 = arith.constant 32 : index
        %get3A_263 = tpu.vector_load %arg6[%get3A_261, %get3A_262] {strides = array<i32>} : memref<200x64xf32, #tpu.memory_space<vmem>>, vector<1x16xf32>,
        %get3A_264 = vector.shape_cast %get3A_263 : vector<1x16xf32> to vector<16xf32>
        %add3A_265 = arith.addf %add3A_241, %get3A_264 : vector<16xf32>
        %get3A_266 = arith.index_cast %add3A_250 : i32 to index
        %get3A_267 = arith.constant 48 : index
        %get3A_268 = tpu.vector_load %arg6[%get3A_266, %get3A_267] {strides = array<i32>} : memref<200x64xf32, #tpu.memory_space<vmem>>, vector<1x16xf32>,
        %get3A_269 = vector.shape_cast %get3A_268 : vector<1x16xf32> to vector<16xf32>
        %add3A_270 = arith.addf %add3A_246, %get3A_269 : vector<16xf32>
        %mul3A_271 = arith.constant 8 : i32
        %mul3A_272 = arith.muli %scan3A_123, %mul3A_271 : i32
        %add3A_273 = arith.constant 6 : i32
        %add3A_274 = arith.addi %mul3A_272, %add3A_273 : i32
        %get3A_275 = arith.index_cast %add3A_274 : i32 to index
        %get3A_276 = arith.constant 0 : index
        %get3A_277 = tpu.vector_load %arg6[%get3A_275, %get3A_276] {strides = array<i32>} : memref<200x64xf32, #tpu.memory_space<vmem>>, vector<1x16xf32>,
        %get3A_278 = vector.shape_cast %get3A_277 : vector<1x16xf32> to vector<16xf32>
        %add3A_279 = arith.addf %add3A_255, %get3A_278 : vector<16xf32>
        %get3A_280 = arith.index_cast %add3A_274 : i32 to index
        %get3A_281 = arith.constant 16 : index
        %get3A_282 = tpu.vector_load %arg6[%get3A_280, %get3A_281] {strides = array<i32>} : memref<200x64xf32, #tpu.memory_space<vmem>>, vector<1x16xf32>,
        %get3A_283 = vector.shape_cast %get3A_282 : vector<1x16xf32> to vector<16xf32>
        %add3A_284 = arith.addf %add3A_260, %get3A_283 : vector<16xf32>
        %get3A_285 = arith.index_cast %add3A_274 : i32 to index
        %get3A_286 = arith.constant 32 : index
        %get3A_287 = tpu.vector_load %arg6[%get3A_285, %get3A_286] {strides = array<i32>} : memref<200x64xf32, #tpu.memory_space<vmem>>, vector<1x16xf32>,
        %get3A_288 = vector.shape_cast %get3A_287 : vector<1x16xf32> to vector<16xf32>
        %add3A_289 = arith.addf %add3A_265, %get3A_288 : vector<16xf32>
        %get3A_290 = arith.index_cast %add3A_274 : i32 to index
        %get3A_291 = arith.constant 48 : index
        %get3A_292 = tpu.vector_load %arg6[%get3A_290, %get3A_291] {strides = array<i32>} : memref<200x64xf32, #tpu.memory_space<vmem>>, vector<1x16xf32>,
        %get3A_293 = vector.shape_cast %get3A_292 : vector<1x16xf32> to vector<16xf32>
        %add3A_294 = arith.addf %add3A_270, %get3A_293 : vector<16xf32>
        %mul3A_295 = arith.constant 8 : i32
        %mul3A_296 = arith.muli %scan3A_123, %mul3A_295 : i32
        %add3A_297 = arith.constant 7 : i32
        %add3A_298 = arith.addi %mul3A_296, %add3A_297 : i32
        %get3A_299 = arith.index_cast %add3A_298 : i32 to index
        %get3A_300 = arith.constant 0 : index
        %get3A_301 = tpu.vector_load %arg6[%get3A_299, %get3A_300] {strides = array<i32>} : memref<200x64xf32, #tpu.memory_space<vmem>>, vector<1x16xf32>,
        %get3A_302 = vector.shape_cast %get3A_301 : vector<1x16xf32> to vector<16xf32>
        %add3A_303 = arith.addf %add3A_279, %get3A_302 : vector<16xf32>
        %get3A_304 = arith.index_cast %add3A_298 : i32 to index
        %get3A_305 = arith.constant 16 : index
        %get3A_306 = tpu.vector_load %arg6[%get3A_304, %get3A_305] {strides = array<i32>} : memref<200x64xf32, #tpu.memory_space<vmem>>, vector<1x16xf32>,
        %get3A_307 = vector.shape_cast %get3A_306 : vector<1x16xf32> to vector<16xf32>
        %add3A_308 = arith.addf %add3A_284, %get3A_307 : vector<16xf32>
        %get3A_309 = arith.index_cast %add3A_298 : i32 to index
        %get3A_310 = arith.constant 32 : index
        %get3A_311 = tpu.vector_load %arg6[%get3A_309, %get3A_310] {strides = array<i32>} : memref<200x64xf32, #tpu.memory_space<vmem>>, vector<1x16xf32>,
        %get3A_312 = vector.shape_cast %get3A_311 : vector<1x16xf32> to vector<16xf32>
        %add3A_313 = arith.addf %add3A_289, %get3A_312 : vector<16xf32>
        %get3A_314 = arith.index_cast %add3A_298 : i32 to index
        %get3A_315 = arith.constant 48 : index
        %get3A_316 = tpu.vector_load %arg6[%get3A_314, %get3A_315] {strides = array<i32>} : memref<200x64xf32, #tpu.memory_space<vmem>>, vector<1x16xf32>,
        %get3A_317 = vector.shape_cast %get3A_316 : vector<1x16xf32> to vector<16xf32>
        %add3A_318 = arith.addf %add3A_294, %get3A_317 : vector<16xf32>
        scf.yield %add3A_303, %add3A_308, %add3A_313, %add3A_318 : vector<16xf32>, vector<16xf32>, vector<16xf32>, vector<16xf32>
      }
      %scan3A_63 = arith.constant 25 : i32
      %swap3A = arith.index_cast %mul3A_56 : i32 to index
      %swap3A_64 = arith.constant 0 : index
      %swap3A_65 = tpu.vector_load %arg8[%swap3A, %swap3A_64] {strides = array<i32>} : memref<128x64xf32, #tpu.memory_space<vmem>>, vector<1x16xf32>,
      %swap3A_66 = vector.shape_cast %swap3A_65 : vector<1x16xf32> to vector<16xf32>
      %swap3A_67 = vector.shape_cast %scan3A_62#0 : vector<16xf32> to vector<1x16xf32>
      tpu.vector_store %arg8[%swap3A, %swap3A_64], %swap3A_67 {strides = array<i32>} : memref<128x64xf32, #tpu.memory_space<vmem>>, vector<1x16xf32>,
      %swap3A_68 = arith.index_cast %mul3A_56 : i32 to index
      %swap3A_69 = arith.constant 16 : index
      %swap3A_70 = tpu.vector_load %arg8[%swap3A_68, %swap3A_69] {strides = array<i32>} : memref<128x64xf32, #tpu.memory_space<vmem>>, vector<1x16xf32>,
      %swap3A_71 = vector.shape_cast %swap3A_70 : vector<1x16xf32> to vector<16xf32>
      %swap3A_72 = vector.shape_cast %scan3A_62#1 : vector<16xf32> to vector<1x16xf32>
      tpu.vector_store %arg8[%swap3A_68, %swap3A_69], %swap3A_72 {strides = array<i32>} : memref<128x64xf32, #tpu.memory_space<vmem>>, vector<1x16xf32>,
      %swap3A_73 = arith.index_cast %mul3A_56 : i32 to index
      %swap3A_74 = arith.constant 32 : index
      %swap3A_75 = tpu.vector_load %arg8[%swap3A_73, %swap3A_74] {strides = array<i32>} : memref<128x64xf32, #tpu.memory_space<vmem>>, vector<1x16xf32>,
      %swap3A_76 = vector.shape_cast %swap3A_75 : vector<1x16xf32> to vector<16xf32>
      %swap3A_77 = vector.shape_cast %scan3A_62#2 : vector<16xf32> to vector<1x16xf32>
      tpu.vector_store %arg8[%swap3A_73, %swap3A_74], %swap3A_77 {strides = array<i32>} : memref<128x64xf32, #tpu.memory_space<vmem>>, vector<1x16xf32>,
      %swap3A_78 = arith.index_cast %mul3A_56 : i32 to index
      %swap3A_79 = arith.constant 48 : index
      %swap3A_80 = tpu.vector_load %arg8[%swap3A_78, %swap3A_79] {strides = array<i32>} : memref<128x64xf32, #tpu.memory_space<vmem>>, vector<1x16xf32>,
      %swap3A_81 = vector.shape_cast %swap3A_80 : vector<1x16xf32> to vector<16xf32>
      %swap3A_82 = vector.shape_cast %scan3A_62#3 : vector<16xf32> to vector<1x16xf32>
      tpu.vector_store %arg8[%swap3A_78, %swap3A_79], %swap3A_82 {strides = array<i32>} : memref<128x64xf32, #tpu.memory_space<vmem>>, vector<1x16xf32>,
      %lt3A = arith.constant 63 : i32
      %lt3A_83 = arith.cmpi slt, %scan3A_27, %lt3A : i32
      %convert_element_type3A = arith.extui %lt3A_83 : i1 to i32
      %cond3A = arith.constant 0 : i32
      %cond3A_84 = arith.cmpi ne, %convert_element_type3A, %cond3A : i32
      scf.if %cond3A_84 {
        %mul3A_123 = arith.constant 2 : i32
        %mul3A_124 = arith.muli %mul3A_123, %scan3A_27 : i32
        %add3A_125 = arith.constant 2 : i32
        %add3A_126 = arith.addi %mul3A_124, %add3A_125 : i32
        %dma_start3A_127 = arith.constant 0 : i32
        %dma_start3A_128 = arith.constant 0 : i32
        %dma_start3A_129 = tpu.memref_slice %arg6[%dma_start3A_127, %dma_start3A_128] : memref<200x64xf32, #tpu.memory_space<vmem>> -> memref<128x64xf32, #tpu.memory_space<vmem>>
        %dma_start3A_130 = arith.constant 0 : i32
        %dma_start3A_131 = tpu.memref_slice %arg5[%add3A_126, %dma_start3A_130] : memref<128x256xi32, #tpu.memory_space<vmem>> -> memref<1x128xi32, #tpu.memory_space<vmem>>
        %dma_start3A_132 = tpu.memref_squeeze %dma_start3A_131 : memref<1x128xi32, #tpu.memory_space<vmem>> -> memref<128xi32, #tpu.memory_space<vmem>>
        %dma_start3A_133 = arith.constant 0 : i32
        %dma_start3A_134 = arith.constant 0 : i32
        %dma_start3A_135 = tpu.memref_slice %arg3[%dma_start3A_133, %dma_start3A_134] : memref<1000000x64xf32, #tpu.memory_space<hbm>> -> memref<1000000x64xf32, #tpu.memory_space<hbm>>
        tpu.enqueue_indirect_dma source(%dma_start3A_135 : memref<1000000x64xf32, #tpu.memory_space<hbm>>) target(%dma_start3A_129 : memref<128x64xf32, #tpu.memory_space<vmem>>) offsets(%dma_start3A_132 : memref<128xi32, #tpu.memory_space<vmem>>) semaphore(%arg9 : memref<!tpu.dma_semaphore, #tpu.memory_space<semaphore_mem>>)
        %dma_start3A_136 = arith.constant 128 : i32
        %dma_start3A_137 = arith.constant 0 : i32
        %dma_start3A_138 = tpu.memref_slice %arg6[%dma_start3A_136, %dma_start3A_137] : memref<200x64xf32, #tpu.memory_space<vmem>> -> memref<72x64xf32, #tpu.memory_space<vmem>>
        %dma_start3A_139 = arith.constant 128 : i32
        %dma_start3A_140 = tpu.memref_slice %arg5[%add3A_126, %dma_start3A_139] : memref<128x256xi32, #tpu.memory_space<vmem>> -> memref<1x72xi32, #tpu.memory_space<vmem>>
        %dma_start3A_141 = tpu.memref_squeeze %dma_start3A_140 : memref<1x72xi32, #tpu.memory_space<vmem>> -> memref<72xi32, #tpu.memory_space<vmem>>
        %dma_start3A_142 = arith.constant 0 : i32
        %dma_start3A_143 = arith.constant 0 : i32
        %dma_start3A_144 = tpu.memref_slice %arg3[%dma_start3A_142, %dma_start3A_143] : memref<1000000x64xf32, #tpu.memory_space<hbm>> -> memref<1000000x64xf32, #tpu.memory_space<hbm>>
        tpu.enqueue_indirect_dma source(%dma_start3A_144 : memref<1000000x64xf32, #tpu.memory_space<hbm>>) target(%dma_start3A_138 : memref<72x64xf32, #tpu.memory_space<vmem>>) offsets(%dma_start3A_141 : memref<72xi32, #tpu.memory_space<vmem>>) semaphore(%arg9 : memref<!tpu.dma_semaphore, #tpu.memory_space<semaphore_mem>>)
      } else {
      }
      %dma_wait3A_85 = arith.constant 0 : i32
      %dma_wait3A_86 = arith.constant 0 : i32
      %dma_wait3A_87 = tpu.memref_slice %arg3[%dma_wait3A_85, %dma_wait3A_86] : memref<1000000x64xf32, #tpu.memory_space<hbm>> -> memref<200x64xf32, #tpu.memory_space<hbm>>
      %dma_wait3A_88 = arith.constant 0 : i32
      %dma_wait3A_89 = arith.constant 0 : i32
      %dma_wait3A_90 = tpu.memref_slice %arg3[%dma_wait3A_88, %dma_wait3A_89] : memref<1000000x64xf32, #tpu.memory_space<hbm>> -> memref<200x64xf32, #tpu.memory_space<hbm>>
      tpu.wait_dma2 semaphore(%arg10 : memref<!tpu.dma_semaphore, #tpu.memory_space<semaphore_mem>>) src(%dma_wait3A_90 : memref<200x64xf32, #tpu.memory_space<hbm>>) dst(%arg7 : memref<200x64xf32, #tpu.memory_space<vmem>>)
      %mul3A_91 = arith.constant 2 : i32
      %mul3A_92 = arith.muli %mul3A_91, %scan3A_27 : i32
      %add3A_93 = arith.constant 1 : i32
      %add3A_94 = arith.addi %mul3A_92, %add3A_93 : i32
      %broadcast_in_dim3A_95 = arith.constant 0.000000e+00 : f32
      %broadcast_in_dim3A_96 = vector.broadcast %broadcast_in_dim3A_95 : f32 to vector<16xf32>
      %scan3A_97 = arith.constant 0 : i32
      %scan3A_98 = arith.constant 25 : i32
      %scan3A_99 = arith.addi %scan3A_97, %scan3A_98 : i32
      %scan3A_100 = arith.constant 1 : i32
      %scan3A_101:4 = scf.for %scan3A_123 = %scan3A_97 to %scan3A_99 step %scan3A_100 iter_args(%scan3A_124 = %broadcast_in_dim3A_96, %scan3A_125 = %broadcast_in_dim3A_96, %scan3A_126 = %broadcast_in_dim3A_96, %scan3A_127 = %broadcast_in_dim3A_96) -> (vector<16xf32>, vector<16xf32>, vector<16xf32>, vector<16xf32>)  : i32 {
        %mul3A_128 = arith.constant 8 : i32
        %mul3A_129 = arith.muli %scan3A_123, %mul3A_128 : i32
        %add3A_130 = arith.constant 0 : i32
        %add3A_131 = arith.addi %mul3A_129, %add3A_130 : i32
        %get3A = arith.index_cast %add3A_131 : i32 to index
        %get3A_132 = arith.constant 0 : index
        %get3A_133 = tpu.vector_load %arg7[%get3A, %get3A_132] {strides = array<i32>} : memref<200x64xf32, #tpu.memory_space<vmem>>, vector<1x16xf32>,
        %get3A_134 = vector.shape_cast %get3A_133 : vector<1x16xf32> to vector<16xf32>
        %add3A_135 = arith.addf %scan3A_124, %get3A_134 : vector<16xf32>
        %get3A_136 = arith.index_cast %add3A_131 : i32 to index
        %get3A_137 = arith.constant 16 : index
        %get3A_138 = tpu.vector_load %arg7[%get3A_136, %get3A_137] {strides = array<i32>} : memref<200x64xf32, #tpu.memory_space<vmem>>, vector<1x16xf32>,
        %get3A_139 = vector.shape_cast %get3A_138 : vector<1x16xf32> to vector<16xf32>
        %add3A_140 = arith.addf %scan3A_125, %get3A_139 : vector<16xf32>
        %get3A_141 = arith.index_cast %add3A_131 : i32 to index
        %get3A_142 = arith.constant 32 : index
        %get3A_143 = tpu.vector_load %arg7[%get3A_141, %get3A_142] {strides = array<i32>} : memref<200x64xf32, #tpu.memory_space<vmem>>, vector<1x16xf32>,
        %get3A_144 = vector.shape_cast %get3A_143 : vector<1x16xf32> to vector<16xf32>
        %add3A_145 = arith.addf %scan3A_126, %get3A_144 : vector<16xf32>
        %get3A_146 = arith.index_cast %add3A_131 : i32 to index
        %get3A_147 = arith.constant 48 : index
        %get3A_148 = tpu.vector_load %arg7[%get3A_146, %get3A_147] {strides = array<i32>} : memref<200x64xf32, #tpu.memory_space<vmem>>, vector<1x16xf32>,
        %get3A_149 = vector.shape_cast %get3A_148 : vector<1x16xf32> to vector<16xf32>
        %add3A_150 = arith.addf %scan3A_127, %get3A_149 : vector<16xf32>
        %mul3A_151 = arith.constant 8 : i32
        %mul3A_152 = arith.muli %scan3A_123, %mul3A_151 : i32
        %add3A_153 = arith.constant 1 : i32
        %add3A_154 = arith.addi %mul3A_152, %add3A_153 : i32
        %get3A_155 = arith.index_cast %add3A_154 : i32 to index
        %get3A_156 = arith.constant 0 : index
        %get3A_157 = tpu.vector_load %arg7[%get3A_155, %get3A_156] {strides = array<i32>} : memref<200x64xf32, #tpu.memory_space<vmem>>, vector<1x16xf32>,
        %get3A_158 = vector.shape_cast %get3A_157 : vector<1x16xf32> to vector<16xf32>
        %add3A_159 = arith.addf %add3A_135, %get3A_158 : vector<16xf32>
        %get3A_160 = arith.index_cast %add3A_154 : i32 to index
        %get3A_161 = arith.constant 16 : index
        %get3A_162 = tpu.vector_load %arg7[%get3A_160, %get3A_161] {strides = array<i32>} : memref<200x64xf32, #tpu.memory_space<vmem>>, vector<1x16xf32>,
        %get3A_163 = vector.shape_cast %get3A_162 : vector<1x16xf32> to vector<16xf32>
        %add3A_164 = arith.addf %add3A_140, %get3A_163 : vector<16xf32>
        %get3A_165 = arith.index_cast %add3A_154 : i32 to index
        %get3A_166 = arith.constant 32 : index
        %get3A_167 = tpu.vector_load %arg7[%get3A_165, %get3A_166] {strides = array<i32>} : memref<200x64xf32, #tpu.memory_space<vmem>>, vector<1x16xf32>,
        %get3A_168 = vector.shape_cast %get3A_167 : vector<1x16xf32> to vector<16xf32>
        %add3A_169 = arith.addf %add3A_145, %get3A_168 : vector<16xf32>
        %get3A_170 = arith.index_cast %add3A_154 : i32 to index
        %get3A_171 = arith.constant 48 : index
        %get3A_172 = tpu.vector_load %arg7[%get3A_170, %get3A_171] {strides = array<i32>} : memref<200x64xf32, #tpu.memory_space<vmem>>, vector<1x16xf32>,
        %get3A_173 = vector.shape_cast %get3A_172 : vector<1x16xf32> to vector<16xf32>
        %add3A_174 = arith.addf %add3A_150, %get3A_173 : vector<16xf32>
        %mul3A_175 = arith.constant 8 : i32
        %mul3A_176 = arith.muli %scan3A_123, %mul3A_175 : i32
        %add3A_177 = arith.constant 2 : i32
        %add3A_178 = arith.addi %mul3A_176, %add3A_177 : i32
        %get3A_179 = arith.index_cast %add3A_178 : i32 to index
        %get3A_180 = arith.constant 0 : index
        %get3A_181 = tpu.vector_load %arg7[%get3A_179, %get3A_180] {strides = array<i32>} : memref<200x64xf32, #tpu.memory_space<vmem>>, vector<1x16xf32>,
        %get3A_182 = vector.shape_cast %get3A_181 : vector<1x16xf32> to vector<16xf32>
        %add3A_183 = arith.addf %add3A_159, %get3A_182 : vector<16xf32>
        %get3A_184 = arith.index_cast %add3A_178 : i32 to index
        %get3A_185 = arith.constant 16 : index
        %get3A_186 = tpu.vector_load %arg7[%get3A_184, %get3A_185] {strides = array<i32>} : memref<200x64xf32, #tpu.memory_space<vmem>>, vector<1x16xf32>,
        %get3A_187 = vector.shape_cast %get3A_186 : vector<1x16xf32> to vector<16xf32>
        %add3A_188 = arith.addf %add3A_164, %get3A_187 : vector<16xf32>
        %get3A_189 = arith.index_cast %add3A_178 : i32 to index
        %get3A_190 = arith.constant 32 : index
        %get3A_191 = tpu.vector_load %arg7[%get3A_189, %get3A_190] {strides = array<i32>} : memref<200x64xf32, #tpu.memory_space<vmem>>, vector<1x16xf32>,
        %get3A_192 = vector.shape_cast %get3A_191 : vector<1x16xf32> to vector<16xf32>
        %add3A_193 = arith.addf %add3A_169, %get3A_192 : vector<16xf32>
        %get3A_194 = arith.index_cast %add3A_178 : i32 to index
        %get3A_195 = arith.constant 48 : index
        %get3A_196 = tpu.vector_load %arg7[%get3A_194, %get3A_195] {strides = array<i32>} : memref<200x64xf32, #tpu.memory_space<vmem>>, vector<1x16xf32>,
        %get3A_197 = vector.shape_cast %get3A_196 : vector<1x16xf32> to vector<16xf32>
        %add3A_198 = arith.addf %add3A_174, %get3A_197 : vector<16xf32>
        %mul3A_199 = arith.constant 8 : i32
        %mul3A_200 = arith.muli %scan3A_123, %mul3A_199 : i32
        %add3A_201 = arith.constant 3 : i32
        %add3A_202 = arith.addi %mul3A_200, %add3A_201 : i32
        %get3A_203 = arith.index_cast %add3A_202 : i32 to index
        %get3A_204 = arith.constant 0 : index
        %get3A_205 = tpu.vector_load %arg7[%get3A_203, %get3A_204] {strides = array<i32>} : memref<200x64xf32, #tpu.memory_space<vmem>>, vector<1x16xf32>,
        %get3A_206 = vector.shape_cast %get3A_205 : vector<1x16xf32> to vector<16xf32>
        %add3A_207 = arith.addf %add3A_183, %get3A_206 : vector<16xf32>
        %get3A_208 = arith.index_cast %add3A_202 : i32 to index
        %get3A_209 = arith.constant 16 : index
        %get3A_210 = tpu.vector_load %arg7[%get3A_208, %get3A_209] {strides = array<i32>} : memref<200x64xf32, #tpu.memory_space<vmem>>, vector<1x16xf32>,
        %get3A_211 = vector.shape_cast %get3A_210 : vector<1x16xf32> to vector<16xf32>
        %add3A_212 = arith.addf %add3A_188, %get3A_211 : vector<16xf32>
        %get3A_213 = arith.index_cast %add3A_202 : i32 to index
        %get3A_214 = arith.constant 32 : index
        %get3A_215 = tpu.vector_load %arg7[%get3A_213, %get3A_214] {strides = array<i32>} : memref<200x64xf32, #tpu.memory_space<vmem>>, vector<1x16xf32>,
        %get3A_216 = vector.shape_cast %get3A_215 : vector<1x16xf32> to vector<16xf32>
        %add3A_217 = arith.addf %add3A_193, %get3A_216 : vector<16xf32>
        %get3A_218 = arith.index_cast %add3A_202 : i32 to index
        %get3A_219 = arith.constant 48 : index
        %get3A_220 = tpu.vector_load %arg7[%get3A_218, %get3A_219] {strides = array<i32>} : memref<200x64xf32, #tpu.memory_space<vmem>>, vector<1x16xf32>,
        %get3A_221 = vector.shape_cast %get3A_220 : vector<1x16xf32> to vector<16xf32>
        %add3A_222 = arith.addf %add3A_198, %get3A_221 : vector<16xf32>
        %mul3A_223 = arith.constant 8 : i32
        %mul3A_224 = arith.muli %scan3A_123, %mul3A_223 : i32
        %add3A_225 = arith.constant 4 : i32
        %add3A_226 = arith.addi %mul3A_224, %add3A_225 : i32
        %get3A_227 = arith.index_cast %add3A_226 : i32 to index
        %get3A_228 = arith.constant 0 : index
        %get3A_229 = tpu.vector_load %arg7[%get3A_227, %get3A_228] {strides = array<i32>} : memref<200x64xf32, #tpu.memory_space<vmem>>, vector<1x16xf32>,
        %get3A_230 = vector.shape_cast %get3A_229 : vector<1x16xf32> to vector<16xf32>
        %add3A_231 = arith.addf %add3A_207, %get3A_230 : vector<16xf32>
        %get3A_232 = arith.index_cast %add3A_226 : i32 to index
        %get3A_233 = arith.constant 16 : index
        %get3A_234 = tpu.vector_load %arg7[%get3A_232, %get3A_233] {strides = array<i32>} : memref<200x64xf32, #tpu.memory_space<vmem>>, vector<1x16xf32>,
        %get3A_235 = vector.shape_cast %get3A_234 : vector<1x16xf32> to vector<16xf32>
        %add3A_236 = arith.addf %add3A_212, %get3A_235 : vector<16xf32>
        %get3A_237 = arith.index_cast %add3A_226 : i32 to index
        %get3A_238 = arith.constant 32 : index
        %get3A_239 = tpu.vector_load %arg7[%get3A_237, %get3A_238] {strides = array<i32>} : memref<200x64xf32, #tpu.memory_space<vmem>>, vector<1x16xf32>,
        %get3A_240 = vector.shape_cast %get3A_239 : vector<1x16xf32> to vector<16xf32>
        %add3A_241 = arith.addf %add3A_217, %get3A_240 : vector<16xf32>
        %get3A_242 = arith.index_cast %add3A_226 : i32 to index
        %get3A_243 = arith.constant 48 : index
        %get3A_244 = tpu.vector_load %arg7[%get3A_242, %get3A_243] {strides = array<i32>} : memref<200x64xf32, #tpu.memory_space<vmem>>, vector<1x16xf32>,
        %get3A_245 = vector.shape_cast %get3A_244 : vector<1x16xf32> to vector<16xf32>
        %add3A_246 = arith.addf %add3A_222, %get3A_245 : vector<16xf32>
        %mul3A_247 = arith.constant 8 : i32
        %mul3A_248 = arith.muli %scan3A_123, %mul3A_247 : i32
        %add3A_249 = arith.constant 5 : i32
        %add3A_250 = arith.addi %mul3A_248, %add3A_249 : i32
        %get3A_251 = arith.index_cast %add3A_250 : i32 to index
        %get3A_252 = arith.constant 0 : index
        %get3A_253 = tpu.vector_load %arg7[%get3A_251, %get3A_252] {strides = array<i32>} : memref<200x64xf32, #tpu.memory_space<vmem>>, vector<1x16xf32>,
        %get3A_254 = vector.shape_cast %get3A_253 : vector<1x16xf32> to vector<16xf32>
        %add3A_255 = arith.addf %add3A_231, %get3A_254 : vector<16xf32>
        %get3A_256 = arith.index_cast %add3A_250 : i32 to index
        %get3A_257 = arith.constant 16 : index
        %get3A_258 = tpu.vector_load %arg7[%get3A_256, %get3A_257] {strides = array<i32>} : memref<200x64xf32, #tpu.memory_space<vmem>>, vector<1x16xf32>,
        %get3A_259 = vector.shape_cast %get3A_258 : vector<1x16xf32> to vector<16xf32>
        %add3A_260 = arith.addf %add3A_236, %get3A_259 : vector<16xf32>
        %get3A_261 = arith.index_cast %add3A_250 : i32 to index
        %get3A_262 = arith.constant 32 : index
        %get3A_263 = tpu.vector_load %arg7[%get3A_261, %get3A_262] {strides = array<i32>} : memref<200x64xf32, #tpu.memory_space<vmem>>, vector<1x16xf32>,
        %get3A_264 = vector.shape_cast %get3A_263 : vector<1x16xf32> to vector<16xf32>
        %add3A_265 = arith.addf %add3A_241, %get3A_264 : vector<16xf32>
        %get3A_266 = arith.index_cast %add3A_250 : i32 to index
        %get3A_267 = arith.constant 48 : index
        %get3A_268 = tpu.vector_load %arg7[%get3A_266, %get3A_267] {strides = array<i32>} : memref<200x64xf32, #tpu.memory_space<vmem>>, vector<1x16xf32>,
        %get3A_269 = vector.shape_cast %get3A_268 : vector<1x16xf32> to vector<16xf32>
        %add3A_270 = arith.addf %add3A_246, %get3A_269 : vector<16xf32>
        %mul3A_271 = arith.constant 8 : i32
        %mul3A_272 = arith.muli %scan3A_123, %mul3A_271 : i32
        %add3A_273 = arith.constant 6 : i32
        %add3A_274 = arith.addi %mul3A_272, %add3A_273 : i32
        %get3A_275 = arith.index_cast %add3A_274 : i32 to index
        %get3A_276 = arith.constant 0 : index
        %get3A_277 = tpu.vector_load %arg7[%get3A_275, %get3A_276] {strides = array<i32>} : memref<200x64xf32, #tpu.memory_space<vmem>>, vector<1x16xf32>,
        %get3A_278 = vector.shape_cast %get3A_277 : vector<1x16xf32> to vector<16xf32>
        %add3A_279 = arith.addf %add3A_255, %get3A_278 : vector<16xf32>
        %get3A_280 = arith.index_cast %add3A_274 : i32 to index
        %get3A_281 = arith.constant 16 : index
        %get3A_282 = tpu.vector_load %arg7[%get3A_280, %get3A_281] {strides = array<i32>} : memref<200x64xf32, #tpu.memory_space<vmem>>, vector<1x16xf32>,
        %get3A_283 = vector.shape_cast %get3A_282 : vector<1x16xf32> to vector<16xf32>
        %add3A_284 = arith.addf %add3A_260, %get3A_283 : vector<16xf32>
        %get3A_285 = arith.index_cast %add3A_274 : i32 to index
        %get3A_286 = arith.constant 32 : index
        %get3A_287 = tpu.vector_load %arg7[%get3A_285, %get3A_286] {strides = array<i32>} : memref<200x64xf32, #tpu.memory_space<vmem>>, vector<1x16xf32>,
        %get3A_288 = vector.shape_cast %get3A_287 : vector<1x16xf32> to vector<16xf32>
        %add3A_289 = arith.addf %add3A_265, %get3A_288 : vector<16xf32>
        %get3A_290 = arith.index_cast %add3A_274 : i32 to index
        %get3A_291 = arith.constant 48 : index
        %get3A_292 = tpu.vector_load %arg7[%get3A_290, %get3A_291] {strides = array<i32>} : memref<200x64xf32, #tpu.memory_space<vmem>>, vector<1x16xf32>,
        %get3A_293 = vector.shape_cast %get3A_292 : vector<1x16xf32> to vector<16xf32>
        %add3A_294 = arith.addf %add3A_270, %get3A_293 : vector<16xf32>
        %mul3A_295 = arith.constant 8 : i32
        %mul3A_296 = arith.muli %scan3A_123, %mul3A_295 : i32
        %add3A_297 = arith.constant 7 : i32
        %add3A_298 = arith.addi %mul3A_296, %add3A_297 : i32
        %get3A_299 = arith.index_cast %add3A_298 : i32 to index
        %get3A_300 = arith.constant 0 : index
        %get3A_301 = tpu.vector_load %arg7[%get3A_299, %get3A_300] {strides = array<i32>} : memref<200x64xf32, #tpu.memory_space<vmem>>, vector<1x16xf32>,
        %get3A_302 = vector.shape_cast %get3A_301 : vector<1x16xf32> to vector<16xf32>
        %add3A_303 = arith.addf %add3A_279, %get3A_302 : vector<16xf32>
        %get3A_304 = arith.index_cast %add3A_298 : i32 to index
        %get3A_305 = arith.constant 16 : index
        %get3A_306 = tpu.vector_load %arg7[%get3A_304, %get3A_305] {strides = array<i32>} : memref<200x64xf32, #tpu.memory_space<vmem>>, vector<1x16xf32>,
        %get3A_307 = vector.shape_cast %get3A_306 : vector<1x16xf32> to vector<16xf32>
        %add3A_308 = arith.addf %add3A_284, %get3A_307 : vector<16xf32>
        %get3A_309 = arith.index_cast %add3A_298 : i32 to index
        %get3A_310 = arith.constant 32 : index
        %get3A_311 = tpu.vector_load %arg7[%get3A_309, %get3A_310] {strides = array<i32>} : memref<200x64xf32, #tpu.memory_space<vmem>>, vector<1x16xf32>,
        %get3A_312 = vector.shape_cast %get3A_311 : vector<1x16xf32> to vector<16xf32>
        %add3A_313 = arith.addf %add3A_289, %get3A_312 : vector<16xf32>
        %get3A_314 = arith.index_cast %add3A_298 : i32 to index
        %get3A_315 = arith.constant 48 : index
        %get3A_316 = tpu.vector_load %arg7[%get3A_314, %get3A_315] {strides = array<i32>} : memref<200x64xf32, #tpu.memory_space<vmem>>, vector<1x16xf32>,
        %get3A_317 = vector.shape_cast %get3A_316 : vector<1x16xf32> to vector<16xf32>
        %add3A_318 = arith.addf %add3A_294, %get3A_317 : vector<16xf32>
        scf.yield %add3A_303, %add3A_308, %add3A_313, %add3A_318 : vector<16xf32>, vector<16xf32>, vector<16xf32>, vector<16xf32>
      }
      %scan3A_102 = arith.constant 25 : i32
      %swap3A_103 = arith.index_cast %add3A_94 : i32 to index
      %swap3A_104 = arith.constant 0 : index
      %swap3A_105 = tpu.vector_load %arg8[%swap3A_103, %swap3A_104] {strides = array<i32>} : memref<128x64xf32, #tpu.memory_space<vmem>>, vector<1x16xf32>,
      %swap3A_106 = vector.shape_cast %swap3A_105 : vector<1x16xf32> to vector<16xf32>
      %swap3A_107 = vector.shape_cast %scan3A_101#0 : vector<16xf32> to vector<1x16xf32>
      tpu.vector_store %arg8[%swap3A_103, %swap3A_104], %swap3A_107 {strides = array<i32>} : memref<128x64xf32, #tpu.memory_space<vmem>>, vector<1x16xf32>,
      %swap3A_108 = arith.index_cast %add3A_94 : i32 to index
      %swap3A_109 = arith.constant 16 : index
      %swap3A_110 = tpu.vector_load %arg8[%swap3A_108, %swap3A_109] {strides = array<i32>} : memref<128x64xf32, #tpu.memory_space<vmem>>, vector<1x16xf32>,
      %swap3A_111 = vector.shape_cast %swap3A_110 : vector<1x16xf32> to vector<16xf32>
      %swap3A_112 = vector.shape_cast %scan3A_101#1 : vector<16xf32> to vector<1x16xf32>
      tpu.vector_store %arg8[%swap3A_108, %swap3A_109], %swap3A_112 {strides = array<i32>} : memref<128x64xf32, #tpu.memory_space<vmem>>, vector<1x16xf32>,
      %swap3A_113 = arith.index_cast %add3A_94 : i32 to index
      %swap3A_114 = arith.constant 32 : index
      %swap3A_115 = tpu.vector_load %arg8[%swap3A_113, %swap3A_114] {strides = array<i32>} : memref<128x64xf32, #tpu.memory_space<vmem>>, vector<1x16xf32>,
      %swap3A_116 = vector.shape_cast %swap3A_115 : vector<1x16xf32> to vector<16xf32>
      %swap3A_117 = vector.shape_cast %scan3A_101#2 : vector<16xf32> to vector<1x16xf32>
      tpu.vector_store %arg8[%swap3A_113, %swap3A_114], %swap3A_117 {strides = array<i32>} : memref<128x64xf32, #tpu.memory_space<vmem>>, vector<1x16xf32>,
      %swap3A_118 = arith.index_cast %add3A_94 : i32 to index
      %swap3A_119 = arith.constant 48 : index
      %swap3A_120 = tpu.vector_load %arg8[%swap3A_118, %swap3A_119] {strides = array<i32>} : memref<128x64xf32, #tpu.memory_space<vmem>>, vector<1x16xf32>,
      %swap3A_121 = vector.shape_cast %swap3A_120 : vector<1x16xf32> to vector<16xf32>
      %swap3A_122 = vector.shape_cast %scan3A_101#3 : vector<16xf32> to vector<1x16xf32>
      tpu.vector_store %arg8[%swap3A_118, %swap3A_119], %swap3A_122 {strides = array<i32>} : memref<128x64xf32, #tpu.memory_space<vmem>>, vector<1x16xf32>,
    }
    %scan3A_26 = arith.constant 64 : i32
    "tpu.region"() ({
      %run_scoped3A = tpu.sem_alloc : memref<!tpu.dma_semaphore, #tpu.memory_space<semaphore_mem>>
      %dma_start3A_27 = arith.constant 0 : i32
      %dma_start3A_28 = tpu.memref_slice %arg4[%mul3A_2, %dma_start3A_27] : memref<4096x64xf32, #tpu.memory_space<hbm>> -> memref<128x64xf32, #tpu.memory_space<hbm>>
      %dma_start3A_29 = arith.constant 0 : i32
      %dma_start3A_30 = tpu.memref_slice %arg4[%mul3A_2, %dma_start3A_29] : memref<4096x64xf32, #tpu.memory_space<hbm>> -> memref<128x64xf32, #tpu.memory_space<hbm>>
      tpu.enqueue_dma source(%arg8 : memref<128x64xf32, #tpu.memory_space<vmem>>) target(%dma_start3A_30 : memref<128x64xf32, #tpu.memory_space<hbm>>) target_semaphore(%run_scoped3A : memref<!tpu.dma_semaphore, #tpu.memory_space<semaphore_mem>>)
      %dma_wait3A = arith.constant 0 : i32
      %dma_wait3A_31 = tpu.memref_slice %arg4[%mul3A_2, %dma_wait3A] : memref<4096x64xf32, #tpu.memory_space<hbm>> -> memref<128x64xf32, #tpu.memory_space<hbm>>
      %dma_wait3A_32 = arith.constant 0 : i32
      %dma_wait3A_33 = tpu.memref_slice %arg4[%mul3A_2, %dma_wait3A_32] : memref<4096x64xf32, #tpu.memory_space<hbm>> -> memref<128x64xf32, #tpu.memory_space<hbm>>
      tpu.wait_dma2 semaphore(%run_scoped3A : memref<!tpu.dma_semaphore, #tpu.memory_space<semaphore_mem>>) src(%arg8 : memref<128x64xf32, #tpu.memory_space<vmem>>) dst(%dma_wait3A_33 : memref<128x64xf32, #tpu.memory_space<hbm>>)
      tpu.yield
    }) : () -> ()
    return
  }
}

module attributes {stable_mosaic.version = 14 : i64} {
  func.func @_dense_body(%arg0: i32, %arg1: memref<512x64xf32, #tpu.memory_space<vmem>>, %arg2: memref<64x64xf32, #tpu.memory_space<vmem>>, %arg3: memref<1x64xf32, #tpu.memory_space<vmem>>, %arg4: memref<512x64xf32, #tpu.memory_space<vmem>>) attributes {dimension_semantics = [#tpu.dimension_semantics<arbitrary>], iteration_bounds = array<i64: 8>, scalar_prefetch = 0 : i64, scratch_operands = 0 : i64, tpu.core_type = #tpu.core_type<tc>, window_params = [{transform_indices = @transform_0, window_bounds = array<i64: 512, 64>}, {pipeline_mode = #tpu.pipeline_mode<synchronous>, transform_indices = @transform_1, window_bounds = array<i64: 64, 64>}, {pipeline_mode = #tpu.pipeline_mode<synchronous>, transform_indices = @transform_2, window_bounds = array<i64: 1, 64>}, {transform_indices = @transform_3, window_bounds = array<i64: 512, 64>}]} {
    %get3A = arith.constant 0 : index
    %get3A_0 = arith.constant 0 : index
    %get3A_1 = vector.load %arg1[%get3A, %get3A_0] : memref<512x64xf32, #tpu.memory_space<vmem>>, vector<512x64xf32>
    %get3A_2 = arith.constant 0 : index
    %get3A_3 = arith.constant 0 : index
    %get3A_4 = vector.load %arg2[%get3A_2, %get3A_3] : memref<64x64xf32, #tpu.memory_space<vmem>>, vector<64x64xf32>
    %dot_general3A = arith.constant dense<0.000000e+00> : vector<512x64xf32>
    %dot_general3A_5 = tpu.matmul %get3A_1, %get3A_4, %dot_general3A {dimension_numbers = #tpu.dot_dimension_numbers<[1], [0], [0], [1], [0, 0, 1, 1], [], []>, transpose_lhs_hint = false} : vector<512x64xf32>, vector<64x64xf32>, vector<512x64xf32> -> vector<512x64xf32>
    %mul3A = arith.constant 5.000000e-03 : f32
    %mul3A_6 = vector.broadcast %mul3A : f32 to vector<512x64xf32>
    %mul3A_7 = arith.mulf %dot_general3A_5, %mul3A_6 : vector<512x64xf32>
    %get3A_8 = arith.constant 0 : index
    %get3A_9 = arith.constant 0 : index
    %get3A_10 = vector.load %arg3[%get3A_8, %get3A_9] : memref<1x64xf32, #tpu.memory_space<vmem>>, vector<1x64xf32>
    %add3A = vector.broadcast %get3A_10 : vector<1x64xf32> to vector<512x64xf32>
    %add3A_11 = arith.addf %mul3A_7, %add3A : vector<512x64xf32>
    %max3A = arith.constant 0.000000e+00 : f32
    %max3A_12 = vector.broadcast %max3A : f32 to vector<512x64xf32>
    %max3A_13 = arith.maximumf %add3A_11, %max3A_12 : vector<512x64xf32>
    %swap3A = arith.constant 0 : index
    %swap3A_14 = arith.constant 0 : index
    %swap3A_15 = vector.load %arg4[%swap3A, %swap3A_14] : memref<512x64xf32, #tpu.memory_space<vmem>>, vector<512x64xf32>
    tpu.vector_store %arg4[%swap3A, %swap3A_14], %max3A_13 {strides = array<i32>} : memref<512x64xf32, #tpu.memory_space<vmem>>, vector<512x64xf32>,
    return
  }
  func.func @transform_0(%arg0: i32) -> (i32, i32) {
    %c0_i32 = arith.constant 0 : i32
    %c0_i32_0 = arith.constant 0 : i32
    return %arg0, %c0_i32 : i32, i32
  }
  func.func @transform_1(%arg0: i32) -> (i32, i32) {
    %c0_i32 = arith.constant 0 : i32
    %c0_i32_0 = arith.constant 0 : i32
    %c0_i32_1 = arith.constant 0 : i32
    return %c0_i32, %c0_i32_0 : i32, i32
  }
  func.func @transform_2(%arg0: i32) -> (i32, i32) {
    %c0_i32 = arith.constant 0 : i32
    %c0_i32_0 = arith.constant 0 : i32
    %c0_i32_1 = arith.constant 0 : i32
    return %c0_i32, %c0_i32_0 : i32, i32
  }
  func.func @transform_3(%arg0: i32) -> (i32, i32) {
    %c0_i32 = arith.constant 0 : i32
    %c0_i32_0 = arith.constant 0 : i32
    return %arg0, %c0_i32 : i32, i32
  }
}

</mosaic_0001>

<sc_bundles>
// kernel: kernel.4.cloned.1.call-start
scs
__scs_entry_jumppad:
0x0: {  	(pc) =	sbr.rel $0x88, $3  }
0x1: {  	(tag) =	ssettag $0x0;
	lr =	simm.s32 $0x1  }
0x2: {  	[smem:$0x3F9D] =	sst lr;
	_ =	strace $0xD0000000  }
0x3: {  	_ = 	snop  }
0x4: {  	_ = 	snop  }
0x5: {  	_ = 	snop  }
0x6: {  	_ = 	snop  }
0x7: {  	_ = 	snop  }
__scs_overlays_trampoline_lowered:
0x8: {  	[smem:$0x3FAC] =	sst s0  }
0x9: {  	[smem:$0x3FAD] =	sst s1  }
0xa: {  	[smem:$0x3FAE] =	sst s2  }
0xb: {  	[smem:$0x3FAF] =	sst s3  }
0xc: {  	[smem:$0x3FB0] =	sst s4  }
0xd: {  	[smem:$0x3FB1] =	sst s5  }
0xe: {  	[smem:$0x3FB2] =	sst s6  }
0xf: {  	[smem:$0x3FB3] =	sst s7  }
0x10: {  	[smem:$0x3FB4] =	sst s8  }
0x11: {  	[smem:$0x3FB5] =	sst s9;
	s0 =	simm.s32 @!p0 $0x0  }
0x12: {  	s1 =	sld [smem:$0x3F9B];
	s0 =	simm.s32 @p0 $0x1  }
0x13: {  	[smem:$0x3FB6] =	sst s0;
	s0 =	simm.s32 @!p1 $0x0  }
0x14: {  	s2 =	sld [smem:$0x3F9A];
	s0 =	simm.s32 @p1 $0x1  }
0x15: {  	[smem:$0x3FB7] =	sst s0;
	s0 =	simm.s32 @!p2 $0x0  }
0x16: {  	s3 =	sld [smem:$0x3FDB];
	s0 =	simm.s32 @p2 $0x1  }
0x17: {  	s4 =	simm.s32 $0x1BF5;
	[smem:$0x3FB9] =	sst s0  }
0x18: {  	s0 =	sld [smem:$0x3F9C];
	_ =	swait.ge [sflag:s4], $0x0  }
0x19: {  	s7 =	sld [smem:$0x3F9D]  }
0x1a: {  	s8 =	sadd.s32 $0xFFFFE003, lr  }
0x1b: {  	s9 =	sadd.s32 $0xFFFFFEF7, lr;
	s5 =	simm.s32 $0xFFFFFFFF;
	p2 =	slt.u32 s8, $0xFFFFF086  }
0x1c: {  	p1 =	slt.u32 s9, $0xF7A;
	s5 =	simm.s32 @!p2 $0x0  }
0x1d: {  	s5 =	simm.s32 @p1 $0x1;
	p0 =	seq.s32 s7, s2  }
0x1e: {  	s7 =	smul.u32 @!p0 $0xF7A, s2;
	p2 =	seq.s32 @!p0 s5, $0x0  }
0x1f: {  	s9 =	smul.u32 $0xF7A, s1;
	s8 =	simm.s32 @!p0 $0x1BF5;
	p2 =	por !p2, p0  }
0x20: {  	[sflag:s8] =	ssyncset.s32 @!p0 $0xFFFFF086;
	s6 =	sadd.s32 @!p0 s3, s7;
	s7 =	simm.s32 @!p0 $0x108  }
0x21: {  	s3 =	sadd.s32 s3, s9;
	s6 =	sadd.s32 @!p0 $0x88, s6;
	s7 =	simm.s32 @p2 $0x1082  }
0x22: {  	[simem:s7], [sflag:s8] =	dma.local @!p0 [hbm:s6], $0xF7A  }
0x23: {  	s9 =	sor.u32 $0xD0000000, s2;
	s6 =	simm.s32 $0x108;
	_ =	swait.ge @!p0 [sflag:s8], $0x0  }
0x24: {  	s3 =	sadd.s32 $0x88, s3;
	s6 =	simm.s32 @!p1 $0x1082;
	[sflag:s4] =	ssyncset.s32 $0xFFFFF086  }
0x25: {  	[simem:s6], [sflag:s4] =	dma.local [hbm:s3], $0xF7A  }
0x26: {  	[smem:$0x3F9D] =	sst s1;
	(tag) =	ssettag s2;
	_ =	strace s9  }
0x27: {  	s1 =	sld [smem:$0x3FAD]  }
0x28: {  	s2 =	sld [smem:$0x3FAE]  }
0x29: {  	s4 =	sld [smem:$0x3FB0]  }
0x2a: {  	p0 =	seq.s32 s5, $0x0;
	s5 =	sld [smem:$0x3FB1]  }
0x2b: {  	s6 =	sld [smem:$0x3FB2]  }
0x2c: {  	s7 =	sld [smem:$0x3FB3]  }
0x2d: {  	s3 =	simm.s32 $0x108;
	s8 =	sld [smem:$0x3FB4]  }
0x2e: {  	s3 =	simm.s32 @!p0 $0x1082;
	s9 =	sld [smem:$0x3FB5]  }
0x2f: {  	lr =	sadd.s32 s0, s3;
	s0 =	sld [smem:$0x3FAC]  }
0x30: {  	s3 =	sld [smem:$0x3FAF]  }
0x31: {  	[smem:$0x3FB8] =	sst s10  }
0x32: {  	s10 =	sld [smem:$0x3FB6];
	_ =	sdelay $0x3  }
0x33: {  	p0 =	seq.s32 s10, $0x1;
	s10 =	sld [smem:$0x3FB8];
	_ =	sdelay $0x3  }
0x34: {  	[smem:$0x3FB8] =	sst s10  }
0x35: {  	s10 =	sld [smem:$0x3FB7];
	_ =	sdelay $0x3  }
0x36: {  	p1 =	seq.s32 s10, $0x1;
	s10 =	sld [smem:$0x3FB8];
	_ =	sdelay $0x3  }
0x37: {  	[smem:$0x3FB8] =	sst s10  }
0x38: {  	s10 =	sld [smem:$0x3FB9]  }
0x39: {  	_ = 	snop;
	(pc) =	sbr.ind lr, $3  }
0x3a: {  	_ = 	snop  }
0x3b: {  	_ = 	snop  }
0x3c: {  	p2 =	seq.s32 s10, $0x1;
	s10 =	sld [smem:$0x3FB8]  }
0x3d: {  	_ =	shalt  }
0x3e: {  	_ =	shalt  }
0x3f: {  	_ =	shalt  }
0x40: {  	_ =	shalt  }
0x41: {  	_ =	shalt  }
0x42: {  	_ =	shalt  }
0x43: {  	_ =	shalt  }
0x44: {  	_ =	shalt  }
0x45: {  	_ =	shalt  }
0x46: {  	_ =	shalt  }
0x47: {  	_ =	shalt  }
0x48: {  	_ =	shalt  }
0x49: {  	_ =	shalt  }
0x4a: {  	_ =	shalt  }
0x4b: {  	_ =	shalt  }
0x4c: {  	_ =	shalt  }
0x4d: {  	_ =	shalt  }
0x4e: {  	_ =	shalt  }
0x4f: {  	_ =	shalt  }
0x50: {  	_ =	shalt  }
0x51: {  	_ =	shalt  }
0x52: {  	_ =	shalt  }
0x53: {  	_ =	shalt  }
0x54: {  	_ =	shalt  }
0x55: {  	_ =	shalt  }
0x56: {  	_ =	shalt  }
0x57: {  	_ =	shalt  }
0x58: {  	_ =	shalt  }
0x59: {  	_ =	shalt  }
0x5a: {  	_ =	shalt  }
0x5b: {  	_ =	shalt  }
0x5c: {  	_ =	shalt  }
0x5d: {  	_ =	shalt  }
0x5e: {  	_ =	shalt  }
0x5f: {  	_ =	shalt  }
0x60: {  	_ =	shalt  }
0x61: {  	_ =	shalt  }
0x62: {  	_ =	shalt  }
0x63: {  	_ =	shalt  }
0x64: {  	_ =	shalt  }
0x65: {  	_ =	shalt  }
0x66: {  	_ =	shalt  }
0x67: {  	_ =	shalt  }
0x68: {  	_ =	shalt  }
0x69: {  	_ =	shalt  }
0x6a: {  	_ =	shalt  }
0x6b: {  	_ =	shalt  }
0x6c: {  	_ =	shalt  }
0x6d: {  	_ =	shalt  }
0x6e: {  	_ =	shalt  }
0x6f: {  	_ =	shalt  }
0x70: {  	_ =	shalt  }
0x71: {  	_ =	shalt  }
0x72: {  	_ =	shalt  }
0x73: {  	_ =	shalt  }
0x74: {  	_ =	shalt  }
0x75: {  	_ =	shalt  }
0x76: {  	_ =	shalt  }
0x77: {  	_ =	shalt  }
0x78: {  	_ =	shalt  }
0x79: {  	_ =	shalt  }
0x7a: {  	_ =	shalt  }
0x7b: {  	_ =	shalt  }
0x7c: {  	_ =	shalt  }
0x7d: {  	_ =	shalt  }
0x7e: {  	_ =	shalt  }
0x7f: {  	_ =	shalt  }
0x80: {  	_ =	shalt  }
0x81: {  	_ =	shalt  }
0x82: {  	_ =	shalt  }
0x83: {  	_ =	shalt  }
0x84: {  	_ =	shalt  }
0x85: {  	_ =	shalt  }
0x86: {  	_ =	shalt  }
0x87: {  	_ =	shalt  }
.Lfunc_end0:
.L_simem_size_0:
called_computation_lowered:
.L_overlay_start_0:
0x88: {  	s2 =	sld [smem:$0x3FD9]  }
0x89: {  	s3 =	sld [smem:$0x3FFE];
	_ =	sdelay $0x1  }
0x8a: {  	s1 =	srdreg.scid  }
0x8b: {  	s0 =	sand.u32 $0x1, s1  }
0x8c: {  	s17 =	sshll.u32 s0, $0xA;
	s2 =	sadd.s32 s3, s2  }
0x8d: {  	s2 =	sadd.s32 s2, s17  }
0x8e: {  	[smem:$0x3FC4] =	sst s2  }
0x8f: {  	_ = 	snop  }
0x90: {  	s2 =	sld [smem:$0x3FD0];
	(tm) =	ssettm $0x1  }
0x91: {  	s18 =	sld [smem:$0x3FFB];
	_ =	sdelay $0x3  }
0x92: {  	_ =	strace s18  }
0x93: {  	s3 =	sld [smem:$0x3FFC];
	_ =	sdelay $0x3  }
0x94: {  	_ =	strace s3  }
0x95: {  	s3 =	sld [smem:$0x3FFD];
	_ =	sdelay $0x3  }
0x96: {  	_ =	strace s3  }
0x97: {  	_ =	strace $0x8FFFFFFF  }
0x98: {  	s19 =	sld [smem:$0x3FDB];
	_ =	sdelay $0x1  }
0x99: {  	s4 =	simm.s32 $_scs_section_size  }
0x9a: {  	s5 =	simm.s32 $_size__tile_overlayer_lowered;
	s6 =	simm.s32 $_tile_overlayer_lowered  }
0x9b: {  	s22 =	simm.s32 $0x1BFF;
	s21 =	sshll.u32 s6, $0x1;
	s3 =	sadd.s32 s4, s19  }
0x9c: {  	s7 =	simm.s32 $0x0;
	s20 =	sshll.u32 s5, $0x1;
	s5 =	sadd.s32 s21, s3  }
0x9d: {  	[timem:s7], [sflag:s22] =	dma.local [hbm:s5], s20  }
0x9e: {  	_ =	swait.ge [sflag:s22], s20  }
0x9f: {  	s4 =	ssub.s32 $0x0, s20;
	[sflag:s22] =	ssyncset.done $0x0  }
0xa0: {  	[sflag:s22] =	ssyncadd.s32 s4;
	_ =	sdelay $0x1  }
0xa1: {  	s23 =	simm.s32 $0x1B8B  }
0xa2: {  	_ =	swait.ge [sflag:s23], $0x1  }
0xa3: {  	[sflag:s23] =	ssyncset.done $0x0  }
0xa4: {  	s25 =	simm.s32 $0x1B8E;
	s24 =	sld [smem:$0x3FFE];
	[sflag:s23] =	ssyncadd.s32 $0xFFFFFFFF  }
0xa5: {  	s26 =	simm.s32 $execute0_lowered;
	[smem:$0x3FD2] =	sst s25  }
0xa6: {  	s5 =	sshll.u32 s26, $0x1;
	_ =	strace $0x80000046;
	[dreg:$0x1] =	wrdreg $0xFFFFFFFF  }
0xa7: {  	s28 =	simm.s32 $_size_execute0_lowered;
	s3 =	sadd.s32 s3, s5;
	[dreg:$0x0] =	wrdreg $0x0  }
0xa8: {  	s5 =	sshll.u32 s28, $0x1;
	[dreg:$0x2] =	wrdreg s3  }
0xa9: {  	[dreg:$0x3] =	wrdreg s5  }
0xaa: {  	[dreg:$0x4] =	wrdreg $0xC0  }
0xab: {  	_ =	task [dreg:s7], $0x5FFFF  }
0xac: {  	[dreg:$0x1] =	wrdreg $0xFFFFFFFF  }
0xad: {  	[dreg:$0x0] =	wrdreg $0x60  }
0xae: {  	[dreg:$0x2] =	wrdreg s24  }
0xaf: {  	[dreg:$0x3] =	wrdreg s2  }
0xb0: {  	[dreg:$0x4] =	wrdreg $0x9  }
0xb1: {  	_ =	task.clear_ibuf [dreg:s7], $0x5FFFF;
	_ =	strace $0x90000046  }
0xb2: {  	s29 =	simm.s32 $0x9;
	_ =	strace $0x80000048  }
0xb3: {  	_ =	swait.ge [sflag:s29], $0x1  }
0xb4: {  	[sflag:s29] =	ssyncadd.s32 $0xFFFFFFFF  }
0xb5: {  	_ =	strace $0x90000048  }
0xb6: {  	_ =	sfence  }
0xb7: {  	s30 =	sld [smem:$0x0];
	_ =	sdelay $0x2  }
0xb8: {  	s31 =	sshll.u32 s1, $0xD;
	s1 =	sshrl.u32 s1, $0x2  }
0xb9: {  	s3 =	sand.u32 $0x4000, s31;
	s1 =	sadd.s32 s1, s30  }
0xba: {  	s0 =	sor.u32 s3, s0;
	s1 =	sshll.u32 s1, $0x11  }
0xbb: {  	s0 =	sor.u32 s1, s0  }
0xbc: {  	s0 =	sadd.s32 $0x8F2B, s0  }
0xbd: {  	[sflag:s0] =	ssyncadd.remote.s32 $0x1  }
0xbe: {  	_ =	sfence.sel $0xFFFF  }
0xbf: {  	[dreg:$0x0] =	wrdreg $0xFFFFFFFF;
	(pc) =	sbr.abs _section_cstart, $3  }
0xc0: {  	[dreg:$0x1] =	wrdreg $0xFFFFFFFF  }
0xc1: {  	_ =	task.clear_ibuf [dreg:s7], $0x2FFFF;
	_ =	strace $0x9FFFFFFF  }
0xc2: {  	(tm) =	ssettm $0x7FFFFFFF  }
0xc3: {  	_ =	shalt  }
tec
execute0_lowered:
.L_overlay_start_1:
0x0: {  	(tag) =	ssettag $0x1  }
0x1: {  	s1 =	srdreg.scid  }
0x2: {  	s3 =	rddreg [dreg:$0x0];
	s0 =	stileid.u32  }
0x3: {  	s5 =	rddreg [dreg:$0x1];
	s2 =	simm.s32 $0x0;
	s9 =	simm.s32 $0x8000  }
0x4: {  	s10 =	simm.s32 $0x48;
	s11 =	simm.s32 $0xA000;
	s12 =	simm.s32 $0xB200  }
0x5: {  	s13 =	simm.s32 $0xD200;
	s14 =	simm.s32 $0x1;
	s15 =	simm.s32 $0x2  }
0x6: {  	s16 =	simm.s32 $0xE400;
	s17 =	simm.s32 $0x0;
	s4 =	sand.u32 $0x1, s1  }
0x7: {  	s6 =	sshll.u32 s0, $0x8;
	s1 =	rddreg [dreg:$0x2];
	s7 =	sshll.u32 s4, $0x7  }
0x8: {  	[smem:$0x7FF] =	sst s2;
	s4 =	ssub.s32 $0x2, s4;
	s6 =	sor.u32 s7, s6  }
0x9: {  	_ =	strace $0x80000047;
	s8 =	sshrl.u32 s4, $0x1;
	s7 =	sshll.u32 s6, $0x5  }
0xa: {  	s6 =	sshll.u32 s6, $0x3;
	s8 =	ssub.s32 s4, s8;
	s7 =	sadd.s32 s7, s3  }
0xb: {  	s3 =	sadd.s32 $0xF42E00, s3;
	s5 =	sadd.s32 s5, s6;
	s6 =	smax.u32 s8, $0x1  }
0xc: {  	s8 =	simm.s32 $0x80;
	s4 =	sadd.s32 $0xA00, s7;
	s7 =	simm.s32 $0x3  }
.LBB2_1:
0xd: {  	[tilespmem:s2], [sflag:$0x3] =	stream.linear.gather [hbm4b:s4+s2], $0x8000, $0x38;
	[tilespmem:$0x10400] =	vst v63  }
0xe: {  	_ =	swait.ge [sflag:s7], $0x8000  }
0xf: {  	[sflag:s7] =	ssyncset.done $0x0  }
0x10: {  	[sflag:s7] =	ssyncadd.s32 $0xFFFF8000  }
0x11: {  	[tilespmem:s9], [sflag:$0x1] =	stream.indirect.gather [hbm4b:s3+s8], $0x40, s2, s8, $0xb8;
	[tilespmem:$0x10400] =	vst v63  }
0x12: {  	s18 =	simm.s32 $0x0  }
0x13: {  	[tilespmem:s11], [sflag:$0x1] =	stream.indirect.gather [hbm4b:s3+s10], $0x40, s8, s10, $0xb8;
	[tilespmem:$0x10400] =	vst v63  }
.LBB2_2:
0x14: {  	s19 =	sshllo.u32 s18, $0x1  }
0x15: {  	s20 =	sshll.u32 s19, $0x8  }
0x16: {  	s20 =	sand.u32 $0x3FFFFF00, s20  }
0x17: {  	[tilespmem:s12], [sflag:$0x2] =	stream.indirect.gather [hbm4b:s3+s8], $0x40, s20, s8, $0xb8;
	[tilespmem:$0x10400] =	vst v63  }
0x18: {  	s20 =	sor.u32 $0x80, s20  }
0x19: {  	[tilespmem:s13], [sflag:$0x2] =	stream.indirect.gather [hbm4b:s3+s10], $0x40, s20, s10, $0xb8;
	[tilespmem:$0x10400] =	vst v63  }
0x1a: {  	_ =	swait.ge [sflag:s14], $0x3200  }
0x1b: {  	[sflag:s14] =	ssyncset.done $0x0  }
0x1c: {  	s20 =	simm.s32 $0x0;
	[sflag:s14] =	ssyncadd.s32 $0xFFFFCE00  }
0x1d: {  	v0 =	vld [tilespmem:s20+$0x81C0]  }
0x1e: {  	v1 =	vld [tilespmem:s20+$0x81D0]  }
0x1f: {  	v2 =	vld [tilespmem:s20+$0x8180]  }
0x20: {  	v3 =	vld [tilespmem:s20+$0x8190]  }
0x21: {  	v4 =	vld [tilespmem:s20+$0x8140]  }
0x22: {  	v5 =	vld [tilespmem:s20+$0x8150]  }
0x23: {  	v6 =	vld [tilespmem:s20+$0x8100]  }
0x24: {  	v7 =	vld [tilespmem:s20+$0x8110]  }
0x25: {  	v9 =	vld [tilespmem:s20+$0x80C0]  }
0x26: {  	v8 =	vld [tilespmem:s20+$0x80D0]  }
0x27: {  	v11 =	vld [tilespmem:s20+$0x8080]  }
0x28: {  	v10 =	vld [tilespmem:s20+$0x8090]  }
0x29: {  	v17 =	vld [tilespmem:s20+$0x8040]  }
0x2a: {  	v16 =	vld [tilespmem:s20+$0x8050]  }
0x2b: {  	v19 =	vld [tilespmem:s20+$0x8000]  }
0x2c: {  	v12 =	vimm.f32 $0.0e+00;
	v20 =	vld [tilespmem:s20+$0x8010]  }
0x2d: {  	s21 =	simm.s32 $0x800;
	v15 =	vimm.f32 $0.0e+00;
	v14 =	vimm.f32 $0.0e+00;
	v13 =	vimm.f32 $0.0e+00;
	v18 =	vld [tilespmem:s20+$0x8020]  }
.LBB2_3:
0x2e: {  	p0 =	sne.s32 s21, $0xC000;
	v21 =	vld [tilespmem:s20+$0x8030]  }
0x2f: {  	v22 =	vld [tilespmem:s20+$0x8060]  }
0x30: {  	v23 =	vld [tilespmem:s20+$0x8070]  }
0x31: {  	v24 =	vld [tilespmem:s20+$0x80A0]  }
0x32: {  	v12 =	vadd.f32 v19, v12;
	v15 =	vadd.f32 v20, v15;
	v19 =	vld [tilespmem:s20+$0x80B0]  }
0x33: {  	v14 =	vadd.f32 v18, v14;
	v13 =	vadd.f32 v21, v13;
	v18 =	vld [tilespmem:s20+$0x80E0]  }
0x34: {  	v12 =	vadd.f32 v17, v12;
	v15 =	vadd.f32 v16, v15;
	v16 =	vld [tilespmem:s20+$0x80F0]  }
0x35: {  	v14 =	vadd.f32 v22, v14;
	v13 =	vadd.f32 v23, v13;
	v17 =	vld [tilespmem:s20+$0x8120]  }
0x36: {  	v11 =	vadd.f32 v11, v12;
	v10 =	vadd.f32 v10, v15;
	v12 =	vld [tilespmem:s20+$0x8130]  }
0x37: {  	v14 =	vadd.f32 v24, v14;
	v13 =	vadd.f32 v19, v13;
	v15 =	vld [tilespmem:s20+$0x8160]  }
0x38: {  	v9 =	vadd.f32 v9, v11;
	v8 =	vadd.f32 v8, v10;
	v10 =	vld [tilespmem:s20+$0x8170]  }
0x39: {  	v11 =	vadd.f32 v18, v14;
	v13 =	vadd.f32 v16, v13;
	v14 =	vld [tilespmem:s20+$0x81A0]  }
0x3a: {  	v6 =	vadd.f32 v6, v9;
	v7 =	vadd.f32 v7, v8;
	v8 =	vld [tilespmem:s20+$0x81B0]  }
0x3b: {  	v9 =	vadd.f32 v17, v11;
	v11 =	vadd.f32 v12, v13;
	v13 =	vld [tilespmem:s20+$0x81E0]  }
0x3c: {  	v4 =	vadd.f32 v4, v6;
	v5 =	vadd.f32 v5, v7;
	v6 =	vld [tilespmem:s20+$0x81F0];
	s20 =	sshra.s32 s21, $0x2  }
0x3d: {  	v9 =	vadd.f32 v15, v9;
	v7 =	vld [tilespmem:s20+$0x81C0];
	v10 =	vadd.f32 v10, v11  }
0x3e: {  	v4 =	vadd.f32 v2, v4;
	v5 =	vadd.f32 v3, v5;
	v11 =	vld [tilespmem:s20+$0x81D0]  }
0x3f: {  	v9 =	vadd.f32 v14, v9;
	v2 =	vld [tilespmem:s20+$0x8180];
	v8 =	vadd.f32 v8, v10  }
0x40: {  	v12 =	vadd.f32 v0, v4;
	v15 =	vadd.f32 v1, v5;
	v3 =	vld [tilespmem:s20+$0x8190]  }
0x41: {  	v14 =	vadd.f32 v13, v9;
	v4 =	vld [tilespmem:s20+$0x8140];
	v13 =	vadd.f32 v6, v8  }
0x42: {  	v5 =	vld [tilespmem:s20+$0x8150];
	v0 =	vmov v7  }
0x43: {  	v6 =	vld [tilespmem:s20+$0x8100];
	v1 =	vmov v11  }
0x44: {  	v7 =	vld [tilespmem:s20+$0x8110]  }
0x45: {  	v9 =	vld [tilespmem:s20+$0x80C0]  }
0x46: {  	v8 =	vld [tilespmem:s20+$0x80D0]  }
0x47: {  	v11 =	vld [tilespmem:s20+$0x8080]  }
0x48: {  	v10 =	vld [tilespmem:s20+$0x8090]  }
.Ltmp0:
0x49: {  	v17 =	vld [tilespmem:s20+$0x8040];
	(pc) =	sbr.rel @p0 .LBB2_3-.Ltmp0, $4  }
0x4a: {  	v16 =	vld [tilespmem:s20+$0x8050]  }
0x4b: {  	v19 =	vld [tilespmem:s20+$0x8000]  }
0x4c: {  	v20 =	vld [tilespmem:s20+$0x8010]  }
0x4d: {  	s21 =	sadd.s32 $0x800, s21;
	v18 =	vld [tilespmem:s20+$0x8020]  }
0x4e: {  	v21 =	vld [tilespmem:s20+$0x8030]  }
0x4f: {  	v22 =	vld [tilespmem:s20+$0x8060]  }
0x50: {  	v23 =	vld [tilespmem:s20+$0x8070];
	v12 =	vadd.f32 v19, v12  }
0x51: {  	v19 =	vld [tilespmem:s20+$0x80A0];
	v15 =	vadd.f32 v20, v15  }
0x52: {  	v20 =	vld [tilespmem:s20+$0x80B0];
	v14 =	vadd.f32 v18, v14;
	v12 =	vadd.f32 v17, v12  }
0x53: {  	v17 =	vld [tilespmem:s20+$0x80E0];
	v13 =	vadd.f32 v21, v13;
	v15 =	vadd.f32 v16, v15  }
0x54: {  	v16 =	vld [tilespmem:s20+$0x80F0];
	v14 =	vadd.f32 v22, v14;
	v11 =	vadd.f32 v11, v12  }
0x55: {  	v12 =	vadd.f32 v23, v13;
	v13 =	vld [tilespmem:s20+$0x8120];
	v10 =	vadd.f32 v10, v15  }
0x56: {  	v15 =	vld [tilespmem:s20+$0x8130];
	v14 =	vadd.f32 v19, v14;
	v9 =	vadd.f32 v9, v11  }
0x57: {  	v11 =	vadd.f32 v20, v12;
	v12 =	vld [tilespmem:s20+$0x8160];
	v8 =	vadd.f32 v8, v10  }
0x58: {  	v10 =	vld [tilespmem:s20+$0x8170];
	v14 =	vadd.f32 v17, v14;
	v6 =	vadd.f32 v6, v9  }
0x59: {  	v9 =	vadd.f32 v16, v11;
	v11 =	vld [tilespmem:s20+$0x81A0];
	v7 =	vadd.f32 v7, v8  }
0x5a: {  	v8 =	vld [tilespmem:s20+$0x81B0];
	v13 =	vadd.f32 v13, v14;
	v4 =	vadd.f32 v4, v6  }
0x5b: {  	v6 =	vadd.f32 v15, v9;
	v9 =	vld [tilespmem:s20+$0x81E0];
	v5 =	vadd.f32 v5, v7  }
0x5c: {  	v7 =	vld [tilespmem:s20+$0x81F0];
	v12 =	vadd.f32 v12, v13;
	v2 =	vadd.f32 v2, v4  }
0x5d: {  	v4 =	vadd.f32 v10, v6;
	v3 =	vadd.f32 v3, v5  }
0x5e: {  	s31 =	sshll.u32 s18, $0x7;
	v5 =	vadd.f32 v11, v12;
	v0 =	vadd.f32 v0, v2  }
0x5f: {  	s20 =	sand.u32 $0x3FFFFF80, s31;
	v2 =	vadd.f32 v8, v4;
	v1 =	vadd.f32 v1, v3  }
0x60: {  	p0 =	seq.s32 s18, $0x3F;
	v3 =	vadd.f32 v9, v5;
	[tilespmem:s20+$0xE400] =	vst v0  }
0x61: {  	s21 =	sshll.u32 @!p0 s18, $0x9;
	v0 =	vadd.f32 v7, v2;
	[tilespmem:s20+$0xE410] =	vst v1  }
0x62: {  	s21 =	sand.u32 @!p0 $0x3FFFFE00, s21;
	[tilespmem:s20+$0xE420] =	vst v3  }
0x63: {  	s22 =	simm.s32 @!p0 $0x80;
	s23 =	simm.s32 @!p0 $0x8000;
	[tilespmem:s20+$0xE430] =	vst v0;
	s20 =	sadd.s32 @!p0 $0x200, s21  }
0x64: {  	[tilespmem:s23], [sflag:$0x1] =	stream.indirect.gather @!p0 [hbm4b:s3+s22], $0x40, s20, s22, $0xb8;
	[tilespmem:$0x10400] =	vst v63  }
0x65: {  	s20 =	sadd.s32 @!p0 $0x280, s21;
	s21 =	simm.s32 @!p0 $0x48;
	s22 =	simm.s32 @!p0 $0xA000  }
0x66: {  	[tilespmem:s22], [sflag:$0x1] =	stream.indirect.gather @!p0 [hbm4b:s3+s21], $0x40, s20, s21, $0xb8;
	[tilespmem:$0x10400] =	vst v63  }
0x67: {  	_ =	swait.ge [sflag:s15], $0x3200  }
0x68: {  	[sflag:s15] =	ssyncset.done $0x0  }
0x69: {  	s20 =	simm.s32 $0x0;
	[sflag:s15] =	ssyncadd.s32 $0xFFFFCE00  }
0x6a: {  	v0 =	vld [tilespmem:s20+$0xB3C0]  }
0x6b: {  	v1 =	vld [tilespmem:s20+$0xB3D0]  }
0x6c: {  	v2 =	vld [tilespmem:s20+$0xB380]  }
0x6d: {  	v3 =	vld [tilespmem:s20+$0xB390]  }
0x6e: {  	v4 =	vld [tilespmem:s20+$0xB340]  }
0x6f: {  	v5 =	vld [tilespmem:s20+$0xB350]  }
0x70: {  	v6 =	vld [tilespmem:s20+$0xB300]  }
0x71: {  	v7 =	vld [tilespmem:s20+$0xB310]  }
0x72: {  	v9 =	vld [tilespmem:s20+$0xB2C0]  }
0x73: {  	v8 =	vld [tilespmem:s20+$0xB2D0]  }
0x74: {  	v11 =	vld [tilespmem:s20+$0xB280]  }
0x75: {  	v10 =	vld [tilespmem:s20+$0xB290]  }
0x76: {  	v17 =	vld [tilespmem:s20+$0xB240]  }
0x77: {  	v16 =	vld [tilespmem:s20+$0xB250]  }
0x78: {  	v19 =	vld [tilespmem:s20+$0xB200]  }
0x79: {  	v14 =	vimm.f32 $0.0e+00;
	v20 =	vld [tilespmem:s20+$0xB210]  }
0x7a: {  	v15 =	vimm.f32 $0.0e+00;
	v13 =	vimm.f32 $0.0e+00;
	v12 =	vimm.f32 $0.0e+00;
	s21 =	simm.s32 $0x800;
	v18 =	vld [tilespmem:s20+$0xB220]  }
.LBB2_5:
0x7b: {  	p0 =	sne.s32 s21, $0xC000;
	v21 =	vld [tilespmem:s20+$0xB230]  }
0x7c: {  	v22 =	vld [tilespmem:s20+$0xB260]  }
0x7d: {  	v23 =	vld [tilespmem:s20+$0xB270]  }
0x7e: {  	v24 =	vld [tilespmem:s20+$0xB2A0]  }
0x7f: {  	v12 =	vadd.f32 v19, v12;
	v15 =	vadd.f32 v20, v15;
	v19 =	vld [tilespmem:s20+$0xB2B0]  }
0x80: {  	v14 =	vadd.f32 v18, v14;
	v13 =	vadd.f32 v21, v13;
	v18 =	vld [tilespmem:s20+$0xB2E0]  }
0x81: {  	v12 =	vadd.f32 v17, v12;
	v15 =	vadd.f32 v16, v15;
	v16 =	vld [tilespmem:s20+$0xB2F0]  }
0x82: {  	v14 =	vadd.f32 v22, v14;
	v13 =	vadd.f32 v23, v13;
	v17 =	vld [tilespmem:s20+$0xB320]  }
0x83: {  	v11 =	vadd.f32 v11, v12;
	v10 =	vadd.f32 v10, v15;
	v12 =	vld [tilespmem:s20+$0xB330]  }
0x84: {  	v14 =	vadd.f32 v24, v14;
	v13 =	vadd.f32 v19, v13;
	v15 =	vld [tilespmem:s20+$0xB360]  }
0x85: {  	v9 =	vadd.f32 v9, v11;
	v8 =	vadd.f32 v8, v10;
	v10 =	vld [tilespmem:s20+$0xB370]  }
0x86: {  	v11 =	vadd.f32 v18, v14;
	v13 =	vadd.f32 v16, v13;
	v14 =	vld [tilespmem:s20+$0xB3A0]  }
0x87: {  	v6 =	vadd.f32 v6, v9;
	v7 =	vadd.f32 v7, v8;
	v8 =	vld [tilespmem:s20+$0xB3B0]  }
0x88: {  	v9 =	vadd.f32 v17, v11;
	v11 =	vadd.f32 v12, v13;
	v13 =	vld [tilespmem:s20+$0xB3E0]  }
0x89: {  	v4 =	vadd.f32 v4, v6;
	v5 =	vadd.f32 v5, v7;
	v6 =	vld [tilespmem:s20+$0xB3F0];
	s20 =	sshra.s32 s21, $0x2  }
0x8a: {  	v9 =	vadd.f32 v15, v9;
	v7 =	vld [tilespmem:s20+$0xB3C0];
	v10 =	vadd.f32 v10, v11  }
0x8b: {  	v4 =	vadd.f32 v2, v4;
	v5 =	vadd.f32 v3, v5;
	v11 =	vld [tilespmem:s20+$0xB3D0]  }
0x8c: {  	v9 =	vadd.f32 v14, v9;
	v2 =	vld [tilespmem:s20+$0xB380];
	v8 =	vadd.f32 v8, v10  }
0x8d: {  	v12 =	vadd.f32 v0, v4;
	v15 =	vadd.f32 v1, v5;
	v3 =	vld [tilespmem:s20+$0xB390]  }
0x8e: {  	v14 =	vadd.f32 v13, v9;
	v4 =	vld [tilespmem:s20+$0xB340];
	v13 =	vadd.f32 v6, v8  }
0x8f: {  	v5 =	vld [tilespmem:s20+$0xB350];
	v0 =	vmov v7  }
0x90: {  	v6 =	vld [tilespmem:s20+$0xB300];
	v1 =	vmov v11  }
0x91: {  	v7 =	vld [tilespmem:s20+$0xB310]  }
0x92: {  	v9 =	vld [tilespmem:s20+$0xB2C0]  }
0x93: {  	v8 =	vld [tilespmem:s20+$0xB2D0]  }
0x94: {  	v11 =	vld [tilespmem:s20+$0xB280]  }
0x95: {  	v10 =	vld [tilespmem:s20+$0xB290]  }
.Ltmp1:
0x96: {  	v17 =	vld [tilespmem:s20+$0xB240];
	(pc) =	sbr.rel @p0 .LBB2_5-.Ltmp1, $4  }
0x97: {  	v16 =	vld [tilespmem:s20+$0xB250]  }
0x98: {  	v19 =	vld [tilespmem:s20+$0xB200]  }
0x99: {  	v20 =	vld [tilespmem:s20+$0xB210]  }
0x9a: {  	s21 =	sadd.s32 $0x800, s21;
	v18 =	vld [tilespmem:s20+$0xB220]  }
0x9b: {  	v21 =	vld [tilespmem:s20+$0xB230]  }
0x9c: {  	v22 =	vld [tilespmem:s20+$0xB260]  }
0x9d: {  	v23 =	vld [tilespmem:s20+$0xB270];
	v12 =	vadd.f32 v19, v12  }
0x9e: {  	v43 =	vld [tilespmem:s20+$0xB2A0];
	v15 =	vadd.f32 v20, v15  }
0x9f: {  	v44 =	vld [tilespmem:s20+$0xB2B0];
	v14 =	vadd.f32 v18, v14;
	v12 =	vadd.f32 v17, v12  }
0xa0: {  	v45 =	vld [tilespmem:s20+$0xB2E0];
	v13 =	vadd.f32 v21, v13;
	v15 =	vadd.f32 v16, v15  }
0xa1: {  	v46 =	vld [tilespmem:s20+$0xB2F0];
	v14 =	vadd.f32 v22, v14;
	v11 =	vadd.f32 v11, v12  }
0xa2: {  	v48 =	vld [tilespmem:s20+$0xB320];
	v47 =	vadd.f32 v23, v13;
	v10 =	vadd.f32 v10, v15  }
0xa3: {  	v49 =	vld [tilespmem:s20+$0xB330];
	v14 =	vadd.f32 v43, v14;
	v9 =	vadd.f32 v9, v11  }
0xa4: {  	v51 =	vld [tilespmem:s20+$0xB360];
	v50 =	vadd.f32 v44, v47;
	v8 =	vadd.f32 v8, v10  }
0xa5: {  	v52 =	vld [tilespmem:s20+$0xB370];
	v14 =	vadd.f32 v45, v14;
	v6 =	vadd.f32 v6, v9  }
0xa6: {  	v54 =	vld [tilespmem:s20+$0xB3A0];
	v53 =	vadd.f32 v46, v50;
	v7 =	vadd.f32 v7, v8  }
0xa7: {  	v55 =	vld [tilespmem:s20+$0xB3B0];
	v13 =	vadd.f32 v48, v14;
	v4 =	vadd.f32 v4, v6  }
0xa8: {  	v57 =	vld [tilespmem:s20+$0xB3E0];
	v56 =	vadd.f32 v49, v53;
	v5 =	vadd.f32 v5, v7  }
0xa9: {  	v58 =	vld [tilespmem:s20+$0xB3F0];
	v12 =	vadd.f32 v51, v13;
	v2 =	vadd.f32 v2, v4  }
0xaa: {  	s18 =	sadd.s32 $0x1, s18;
	v59 =	vadd.f32 v52, v56;
	v3 =	vadd.f32 v3, v5  }
0xab: {  	s19 =	sshll.u32 s19, $0x6;
	p0 =	sne.s32 s18, $0x40;
	v60 =	vadd.f32 v54, v12;
	v0 =	vadd.f32 v0, v2  }
.Ltmp2:
0xac: {  	s19 =	sand.u32 $0x3FFFFFC0, s19;
	v61 =	vadd.f32 v55, v59;
	v1 =	vadd.f32 v1, v3;
	(pc) =	sbr.rel @p0 .LBB2_2-.Ltmp2, $4  }
0xad: {  	v62 =	vadd.f32 v57, v60;
	[tilespmem:s19+$0xE400] =	vst v0  }
0xae: {  	v63 =	vadd.f32 v58, v61;
	[tilespmem:s19+$0xE410] =	vst v1  }
0xaf: {  	[tilespmem:s19+$0xE420] =	vst v62  }
0xb0: {  	[tilespmem:s19+$0xE430] =	vst v63  }
0xb1: {  	s17 =	sadd.s32 $0x1, s17  }
0xb2: {  	p0 =	sne.s32 s17, s6  }
.Ltmp3:
0xb3: {  	_ = 	snop;
	(pc) =	sbr.rel @p0 .LBB2_1-.Ltmp3, $4  }
0xb4: {  	[hbm4b:s5+s2] =	stream.linear.scatter [tilespmem:s16], [sflag:$0x3], $0x2000, $0x38;
	[tilespmem:$0x10400] =	vst v63  }
0xb5: {  	_ =	swait.ge [sflag:s7], $0x2000  }
0xb6: {  	[sflag:s7] =	ssyncset.done $0x0  }
0xb7: {  	[sflag:s7] =	ssyncadd.s32 $0xFFFFE000  }
0xb8: {  	_ =	sfence.sel $0x180000  }
0xb9: {  	[bflag:$0x0] =	sbarrier.arrive $0xFFFF  }
0xba: {  	p0 =	sne.s32 s0, $0x0;
	_ =	strace $0x90000047  }
0xbb: {  	s0 =	sadd.s32 @!p0 $0x100000, s1;
	[bflag:$0x2] =	sbarrier.arrive $0xFFFF  }
0xbc: {  	[sflag:s0] =	ssyncadd.tile.s32 @!p0 $0x1;
	_ =	shalt  }
.Lfunc_end2:
_tile_overlayer_lowered:
.L_overlay_start_2:
0xbd: {  	(tag) =	ssettag $0x2  }
0xbe: {  	s0 =	rddreg [dreg:$0x0];
	s2 =	stileid.u32  }
0xbf: {  	s1 =	rddreg [dreg:$0x1];
	p0 =	sne.s32 s2, $0x0  }
0xc0: {  	s3 =	rddreg [dreg:$0x2];
	[bflag:$0x3] =	sbarrier.arrive $0xFFFF;
	s2 =	simm.s32 @!p0 $0x1C03  }
0xc1: {  	[timem:s3], [sflag:s2] =	dma.local @!p0 [hbm:s0], s1  }
0xc2: {  	s0 =	simm.s32 @!p0 $0x3  }
0xc3: {  	_ =	swait.ge @!p0 [sflag:s0], s1  }
0xc4: {  	s1 =	ssub.s32 @!p0 $0x0, s1;
	[sflag:s0] =	ssyncset.done @!p0 $0x0  }
0xc5: {  	[sflag:s0] =	ssyncadd.s32 @!p0 s1  }
0xc6: {  	[bflag:$0x3] =	sbarrier.arrive $0xFFFF  }
0xc7: {  	_ =	shalt  }

</sc_bundles>
